<compile_context>
chip_gen: v7x
topology: tpu7x:2x2x1
jax: 0.10.2.dev20260603
libtpu: 0.0.44.dev20260713+nightly
codegen_flags: <defaults>
</compile_context>

<pallas_src>
import functools
import math

import jax
import jax.numpy as jnp
from jax import lax
from jax.experimental import pallas as pl
from jax.experimental.pallas import tpu as pltpu
from jax.experimental.pallas import tpu_sc as plsc

B, N, T, D = 16, 1024, 64, 768
NC, NS, L = 2, 16, 16
NW = NC * NS
TOTAL = B * N * N
ROWS = B * N
ROWS_W = ROWS // NW
CHUNK = 128
ZCH = 32768
SPAN_W = TOTAL // NW


def _rms(x, eps=1e-6):
    var = jnp.mean(x * x, axis=-1, keepdims=True)
    return x * lax.rsqrt(var + eps)


def _tc_core(p_ref, t_ref, idx_ref):
    p = p_ref[0]
    t = t_ref[0]
    scale = 1.0 / math.sqrt(D)

    pn = _rms(p)
    tn = _rms(t)
    logits = lax.dot_general(
        pn, tn, (((1,), (1,)), ((), ())),
        preferred_element_type=jnp.float32) * scale
    attn = jax.nn.softmax(logits, axis=-1)
    q = lax.dot_general(
        attn, tn, (((1,), (0,)), ((), ())),
        preferred_element_type=jnp.float32)
    qn = _rms(q)
    score = lax.dot_general(
        qn, pn, (((1,), (1,)), ((), ())),
        preferred_element_type=jnp.float32) * scale
    idx_ref[0] = jnp.argmax(score, axis=-1)[None, :]


_mesh = plsc.VectorSubcoreMesh(core_axis_name="c", subcore_axis_name="s")


@functools.partial(
    pl.kernel, mesh=_mesh,
    out_type=jax.ShapeDtypeStruct((TOTAL,), jnp.float32),
    scratch_types=[
        pltpu.VMEM((ZCH,), jnp.float32),
        pltpu.SemaphoreType.DMA,
    ],
)
def _sc_memset(out_hbm, zbuf, sem):
    wid = lax.axis_index("s") * NC + lax.axis_index("c")
    base = wid * SPAN_W

    def zfill(i, carry):
        zbuf[pl.ds(i * L, L)] = jnp.zeros((L,), jnp.float32)
        return carry
    lax.fori_loop(0, ZCH // L, zfill, 0)

    copies = [
        pltpu.make_async_copy(
            zbuf, out_hbm.at[pl.ds(base + k * ZCH, ZCH)], sem)
        for k in range(SPAN_W // ZCH)
    ]
    for cp in copies:
        cp.start()
    for cp in copies:
        cp.wait()


@functools.partial(
    pl.kernel, mesh=_mesh,
    out_type=(),
    scratch_types=[
        pltpu.VMEM((ROWS_W,), jnp.int32),
        pltpu.VMEM((CHUNK,), jnp.int32),
        pltpu.VMEM((CHUNK,), jnp.float32),
        pltpu.SemaphoreType.DMA,
    ],
)
def _sc_scatter(idx_hbm, out_ref, idxv, obuf, ones, sem):
    wid = lax.axis_index("s") * NC + lax.axis_index("c")
    base = wid * ROWS_W
    pltpu.sync_copy(idx_hbm.at[pl.ds(base, ROWS_W)], idxv)
    for i in range(CHUNK // L):
        ones[pl.ds(i * L, L)] = jnp.full((L,), 1.0, jnp.float32)
    lane = lax.iota(jnp.int32, L)
    for c in range(ROWS_W // CHUNK):
        for j in range(CHUNK // L):
            r = c * CHUNK + j * L
            rows = base + r + lane
            obuf[pl.ds(j * L, L)] = rows * N + idxv[pl.ds(r, L)]
        pltpu.async_copy(ones, out_ref.at[obuf], sem).wait()


def kernel(patches, task_tokens):
    idx3 = pl.pallas_call(
        _tc_core,
        grid=(B,),
        in_specs=[
            pl.BlockSpec((1, N, D), lambda i: (i, 0, 0)),
            pl.BlockSpec((1, T, D), lambda i: (i, 0, 0)),
        ],
        out_specs=pl.BlockSpec((1, 1, N), lambda i: (i, 0, 0)),
        out_shape=jax.ShapeDtypeStruct((B, 1, N), jnp.int32),
    )(patches, task_tokens)
    idx_flat = idx3.reshape(ROWS)

    zeros = _sc_memset()
    ref = jax.new_ref(zeros)
    _sc_scatter(idx_flat, ref)
    return ref[...].reshape(B, N, N)

# --- scband reference (transcript-rebuilt; emitter-appended) ---
"""Pipeline reference for scband-light-vlacore-35570919145560 (READ-ONLY COPY).

The authoritative reference and input builder live on the scoring server;
editing this copy changes nothing except your own understanding.
"""

import jax, jax.numpy as jnp
import numpy as np
import math


def _rms_norm(x, eps=1e-6):
    xf = x.astype(jnp.float32)
    var = jnp.mean(xf * xf, axis=-1, keepdims=True)
    return (xf * jax.lax.rsqrt(var + eps)).astype(x.dtype)


def setup_inputs(seed: int = 0) -> dict:
    key = jax.random.key(seed)
    k1, k2 = jax.random.split(key)
    patches = jax.random.normal(k1, (16, 1024, 768), dtype=jnp.float32)
    task_tokens = jax.random.normal(k2, (16, 64, 768), dtype=jnp.float32)
    return {"patches": patches, "task_tokens": task_tokens}


def reference(patches, task_tokens):
    hidden_size = patches.shape[-1]
    scale_factor = 1.0 / math.sqrt(hidden_size)
    # compute_importance_score
    patches_n = _rms_norm(patches)
    task_n = _rms_norm(task_tokens)
    # scaled_dot_product_attention(q=patches_n, k=task_n, v=task_n), default scale 1/sqrt(D)
    attn_logits = jnp.einsum('bnd,btd->bnt', patches_n, task_n) * (1.0 / math.sqrt(patches_n.shape[-1]))
    attn = jax.nn.softmax(attn_logits.astype(jnp.float32), axis=-1).astype(patches_n.dtype)
    queries = jnp.einsum('bnt,btd->bnd', attn, task_n)
    queries = _rms_norm(queries)
    score = jnp.einsum('bnd,bmd->bnm', queries, patches_n) * scale_factor
    # select_soft with noise_scale=None (straight-through hard selection)
    idx = jnp.argmax(score, axis=-1)
    hard = jax.nn.one_hot(idx, score.shape[-1], dtype=score.dtype)
    soft = jax.nn.softmax(score, axis=-1)
    sel = hard + soft - jax.lax.stop_gradient(soft)
    return sel

if __name__ == "__main__":
    import jax
    _d = setup_inputs()
    print(jax.jit(kernel)(*tuple(_d.values())))

</pallas_src>

<mosaic_0001>
#map = affine_map<(d0, d1) -> (0)>
module attributes {stable_mosaic.version = 14 : i64} {
  func.func @new_body(%arg0: i32, %arg1: i32, %arg2: memref<16384xi32, #tpu.memory_space<hbm>>, %arg3: memref<16777216xf32, #tpu.memory_space<hbm>>, %arg4: memref<16777216xf32, #tpu.memory_space<hbm>>, %arg5: memref<512xi32, #tpu.memory_space<vmem>>, %arg6: memref<128xi32, #tpu.memory_space<vmem>>, %arg7: memref<128xf32, #tpu.memory_space<vmem>>, %arg8: memref<!tpu.dma_semaphore, #tpu.memory_space<semaphore_mem>>) attributes {dimension_semantics = [#tpu.dimension_semantics<core_parallel>, #tpu.dimension_semantics<subcore_parallel>], iteration_bounds = array<i64: 2, 16>, scalar_prefetch = 0 : i64, scratch_operands = 4 : i64, tpu.core_type = #tpu.core_type<sc_vector_subcore>, window_params = [{transform_indices = #map}, {transform_indices = #map}, {transform_indices = #map}]} {
    %mul3A = arith.constant 2 : i32
    %mul3A_0 = arith.muli %arg1, %mul3A : i32
    %add3A = arith.addi %mul3A_0, %arg0 : i32
    %mul3A_1 = arith.constant 512 : i32
    %mul3A_2 = arith.muli %add3A, %mul3A_1 : i32
    "tpu.region"() ({
      %run_scoped3A = tpu.sem_alloc : memref<!tpu.dma_semaphore, #tpu.memory_space<semaphore_mem>>
      %dma_start3A_542 = tpu.memref_slice %arg2[%mul3A_2] : memref<16384xi32, #tpu.memory_space<hbm>> -> memref<512xi32, #tpu.memory_space<hbm>>
      %dma_start3A_543 = tpu.memref_slice %arg2[%mul3A_2] : memref<16384xi32, #tpu.memory_space<hbm>> -> memref<512xi32, #tpu.memory_space<hbm>>
      tpu.enqueue_dma source(%dma_start3A_543 : memref<512xi32, #tpu.memory_space<hbm>>) target(%arg5 : memref<512xi32, #tpu.memory_space<vmem>>) target_semaphore(%run_scoped3A : memref<!tpu.dma_semaphore, #tpu.memory_space<semaphore_mem>>)
      %dma_wait3A_544 = tpu.memref_slice %arg2[%mul3A_2] : memref<16384xi32, #tpu.memory_space<hbm>> -> memref<512xi32, #tpu.memory_space<hbm>>
      %dma_wait3A_545 = tpu.memref_slice %arg2[%mul3A_2] : memref<16384xi32, #tpu.memory_space<hbm>> -> memref<512xi32, #tpu.memory_space<hbm>>
      tpu.wait_dma2 semaphore(%run_scoped3A : memref<!tpu.dma_semaphore, #tpu.memory_space<semaphore_mem>>) src(%dma_wait3A_545 : memref<512xi32, #tpu.memory_space<hbm>>) dst(%arg5 : memref<512xi32, #tpu.memory_space<vmem>>)
      tpu.yield
    }) : () -> ()
    %broadcast_in_dim3A = arith.constant 1.000000e+00 : f32
    %broadcast_in_dim3A_3 = vector.broadcast %broadcast_in_dim3A : f32 to vector<16xf32>
    %swap3A = arith.constant 0 : index
    %swap3A_4 = tpu.vector_load %arg7[%swap3A] {strides = array<i32>} : memref<128xf32, #tpu.memory_space<vmem>>, vector<16xf32>,
    %swap3A_5 = vector.shape_cast %swap3A_4 : vector<16xf32> to vector<16xf32>
    %swap3A_6 = vector.shape_cast %broadcast_in_dim3A_3 : vector<16xf32> to vector<16xf32>
    tpu.vector_store %arg7[%swap3A], %swap3A_6 {strides = array<i32>} : memref<128xf32, #tpu.memory_space<vmem>>, vector<16xf32>,
    %broadcast_in_dim3A_7 = arith.constant 1.000000e+00 : f32
    %broadcast_in_dim3A_8 = vector.broadcast %broadcast_in_dim3A_7 : f32 to vector<16xf32>
    %swap3A_9 = arith.constant 16 : index
    %swap3A_10 = tpu.vector_load %arg7[%swap3A_9] {strides = array<i32>} : memref<128xf32, #tpu.memory_space<vmem>>, vector<16xf32>,
    %swap3A_11 = vector.shape_cast %swap3A_10 : vector<16xf32> to vector<16xf32>
    %swap3A_12 = vector.shape_cast %broadcast_in_dim3A_8 : vector<16xf32> to vector<16xf32>
    tpu.vector_store %arg7[%swap3A_9], %swap3A_12 {strides = array<i32>} : memref<128xf32, #tpu.memory_space<vmem>>, vector<16xf32>,
    %broadcast_in_dim3A_13 = arith.constant 1.000000e+00 : f32
    %broadcast_in_dim3A_14 = vector.broadcast %broadcast_in_dim3A_13 : f32 to vector<16xf32>
    %swap3A_15 = arith.constant 32 : index
    %swap3A_16 = tpu.vector_load %arg7[%swap3A_15] {strides = array<i32>} : memref<128xf32, #tpu.memory_space<vmem>>, vector<16xf32>,
    %swap3A_17 = vector.shape_cast %swap3A_16 : vector<16xf32> to vector<16xf32>
    %swap3A_18 = vector.shape_cast %broadcast_in_dim3A_14 : vector<16xf32> to vector<16xf32>
    tpu.vector_store %arg7[%swap3A_15], %swap3A_18 {strides = array<i32>} : memref<128xf32, #tpu.memory_space<vmem>>, vector<16xf32>,
    %broadcast_in_dim3A_19 = arith.constant 1.000000e+00 : f32
    %broadcast_in_dim3A_20 = vector.broadcast %broadcast_in_dim3A_19 : f32 to vector<16xf32>
    %swap3A_21 = arith.constant 48 : index
    %swap3A_22 = tpu.vector_load %arg7[%swap3A_21] {strides = array<i32>} : memref<128xf32, #tpu.memory_space<vmem>>, vector<16xf32>,
    %swap3A_23 = vector.shape_cast %swap3A_22 : vector<16xf32> to vector<16xf32>
    %swap3A_24 = vector.shape_cast %broadcast_in_dim3A_20 : vector<16xf32> to vector<16xf32>
    tpu.vector_store %arg7[%swap3A_21], %swap3A_24 {strides = array<i32>} : memref<128xf32, #tpu.memory_space<vmem>>, vector<16xf32>,
    %broadcast_in_dim3A_25 = arith.constant 1.000000e+00 : f32
    %broadcast_in_dim3A_26 = vector.broadcast %broadcast_in_dim3A_25 : f32 to vector<16xf32>
    %swap3A_27 = arith.constant 64 : index
    %swap3A_28 = tpu.vector_load %arg7[%swap3A_27] {strides = array<i32>} : memref<128xf32, #tpu.memory_space<vmem>>, vector<16xf32>,
    %swap3A_29 = vector.shape_cast %swap3A_28 : vector<16xf32> to vector<16xf32>
    %swap3A_30 = vector.shape_cast %broadcast_in_dim3A_26 : vector<16xf32> to vector<16xf32>
    tpu.vector_store %arg7[%swap3A_27], %swap3A_30 {strides = array<i32>} : memref<128xf32, #tpu.memory_space<vmem>>, vector<16xf32>,
    %broadcast_in_dim3A_31 = arith.constant 1.000000e+00 : f32
    %broadcast_in_dim3A_32 = vector.broadcast %broadcast_in_dim3A_31 : f32 to vector<16xf32>
    %swap3A_33 = arith.constant 80 : index
    %swap3A_34 = tpu.vector_load %arg7[%swap3A_33] {strides = array<i32>} : memref<128xf32, #tpu.memory_space<vmem>>, vector<16xf32>,
    %swap3A_35 = vector.shape_cast %swap3A_34 : vector<16xf32> to vector<16xf32>
    %swap3A_36 = vector.shape_cast %broadcast_in_dim3A_32 : vector<16xf32> to vector<16xf32>
    tpu.vector_store %arg7[%swap3A_33], %swap3A_36 {strides = array<i32>} : memref<128xf32, #tpu.memory_space<vmem>>, vector<16xf32>,
    %broadcast_in_dim3A_37 = arith.constant 1.000000e+00 : f32
    %broadcast_in_dim3A_38 = vector.broadcast %broadcast_in_dim3A_37 : f32 to vector<16xf32>
    %swap3A_39 = arith.constant 96 : index
    %swap3A_40 = tpu.vector_load %arg7[%swap3A_39] {strides = array<i32>} : memref<128xf32, #tpu.memory_space<vmem>>, vector<16xf32>,
    %swap3A_41 = vector.shape_cast %swap3A_40 : vector<16xf32> to vector<16xf32>
    %swap3A_42 = vector.shape_cast %broadcast_in_dim3A_38 : vector<16xf32> to vector<16xf32>
    tpu.vector_store %arg7[%swap3A_39], %swap3A_42 {strides = array<i32>} : memref<128xf32, #tpu.memory_space<vmem>>, vector<16xf32>,
    %broadcast_in_dim3A_43 = arith.constant 1.000000e+00 : f32
    %broadcast_in_dim3A_44 = vector.broadcast %broadcast_in_dim3A_43 : f32 to vector<16xf32>
    %swap3A_45 = arith.constant 112 : index
    %swap3A_46 = tpu.vector_load %arg7[%swap3A_45] {strides = array<i32>} : memref<128xf32, #tpu.memory_space<vmem>>, vector<16xf32>,
    %swap3A_47 = vector.shape_cast %swap3A_46 : vector<16xf32> to vector<16xf32>
    %swap3A_48 = vector.shape_cast %broadcast_in_dim3A_44 : vector<16xf32> to vector<16xf32>
    tpu.vector_store %arg7[%swap3A_45], %swap3A_48 {strides = array<i32>} : memref<128xf32, #tpu.memory_space<vmem>>, vector<16xf32>,
    %iota3A = tpu.iota {dimensions = array<i32: 0>} : vector<16xi32>
    %add3A_49 = arith.constant 0 : i32
    %add3A_50 = arith.addi %mul3A_2, %add3A_49 : i32
    %add3A_51 = vector.broadcast %add3A_50 : i32 to vector<16xi32>
    %add3A_52 = arith.addi %add3A_51, %iota3A : vector<16xi32>
    %mul3A_53 = arith.constant 1024 : i32
    %mul3A_54 = vector.broadcast %mul3A_53 : i32 to vector<16xi32>
    %mul3A_55 = arith.muli %add3A_52, %mul3A_54 : vector<16xi32>
    %get3A = arith.constant 0 : index
    %get3A_56 = tpu.vector_load %arg5[%get3A] {strides = array<i32>} : memref<512xi32, #tpu.memory_space<vmem>>, vector<16xi32>,
    %get3A_57 = vector.shape_cast %get3A_56 : vector<16xi32> to vector<16xi32>
    %add3A_58 = arith.addi %mul3A_55, %get3A_57 : vector<16xi32>
    %swap3A_59 = arith.constant 0 : index
    %swap3A_60 = tpu.vector_load %arg6[%swap3A_59] {strides = array<i32>} : memref<128xi32, #tpu.memory_space<vmem>>, vector<16xi32>,
    %swap3A_61 = vector.shape_cast %swap3A_60 : vector<16xi32> to vector<16xi32>
    %swap3A_62 = vector.shape_cast %add3A_58 : vector<16xi32> to vector<16xi32>
    tpu.vector_store %arg6[%swap3A_59], %swap3A_62 {strides = array<i32>} : memref<128xi32, #tpu.memory_space<vmem>>, vector<16xi32>,
    %add3A_63 = arith.constant 16 : i32
    %add3A_64 = arith.addi %mul3A_2, %add3A_63 : i32
    %add3A_65 = vector.broadcast %add3A_64 : i32 to vector<16xi32>
    %add3A_66 = arith.addi %add3A_65, %iota3A : vector<16xi32>
    %mul3A_67 = arith.constant 1024 : i32
    %mul3A_68 = vector.broadcast %mul3A_67 : i32 to vector<16xi32>
    %mul3A_69 = arith.muli %add3A_66, %mul3A_68 : vector<16xi32>
    %get3A_70 = arith.constant 16 : index
    %get3A_71 = tpu.vector_load %arg5[%get3A_70] {strides = array<i32>} : memref<512xi32, #tpu.memory_space<vmem>>, vector<16xi32>,
    %get3A_72 = vector.shape_cast %get3A_71 : vector<16xi32> to vector<16xi32>
    %add3A_73 = arith.addi %mul3A_69, %get3A_72 : vector<16xi32>
    %swap3A_74 = arith.constant 16 : index
    %swap3A_75 = tpu.vector_load %arg6[%swap3A_74] {strides = array<i32>} : memref<128xi32, #tpu.memory_space<vmem>>, vector<16xi32>,
    %swap3A_76 = vector.shape_cast %swap3A_75 : vector<16xi32> to vector<16xi32>
    %swap3A_77 = vector.shape_cast %add3A_73 : vector<16xi32> to vector<16xi32>
    tpu.vector_store %arg6[%swap3A_74], %swap3A_77 {strides = array<i32>} : memref<128xi32, #tpu.memory_space<vmem>>, vector<16xi32>,
    %add3A_78 = arith.constant 32 : i32
    %add3A_79 = arith.addi %mul3A_2, %add3A_78 : i32
    %add3A_80 = vector.broadcast %add3A_79 : i32 to vector<16xi32>
    %add3A_81 = arith.addi %add3A_80, %iota3A : vector<16xi32>
    %mul3A_82 = arith.constant 1024 : i32
    %mul3A_83 = vector.broadcast %mul3A_82 : i32 to vector<16xi32>
    %mul3A_84 = arith.muli %add3A_81, %mul3A_83 : vector<16xi32>
    %get3A_85 = arith.constant 32 : index
    %get3A_86 = tpu.vector_load %arg5[%get3A_85] {strides = array<i32>} : memref<512xi32, #tpu.memory_space<vmem>>, vector<16xi32>,
    %get3A_87 = vector.shape_cast %get3A_86 : vector<16xi32> to vector<16xi32>
    %add3A_88 = arith.addi %mul3A_84, %get3A_87 : vector<16xi32>
    %swap3A_89 = arith.constant 32 : index
    %swap3A_90 = tpu.vector_load %arg6[%swap3A_89] {strides = array<i32>} : memref<128xi32, #tpu.memory_space<vmem>>, vector<16xi32>,
    %swap3A_91 = vector.shape_cast %swap3A_90 : vector<16xi32> to vector<16xi32>
    %swap3A_92 = vector.shape_cast %add3A_88 : vector<16xi32> to vector<16xi32>
    tpu.vector_store %arg6[%swap3A_89], %swap3A_92 {strides = array<i32>} : memref<128xi32, #tpu.memory_space<vmem>>, vector<16xi32>,
    %add3A_93 = arith.constant 48 : i32
    %add3A_94 = arith.addi %mul3A_2, %add3A_93 : i32
    %add3A_95 = vector.broadcast %add3A_94 : i32 to vector<16xi32>
    %add3A_96 = arith.addi %add3A_95, %iota3A : vector<16xi32>
    %mul3A_97 = arith.constant 1024 : i32
    %mul3A_98 = vector.broadcast %mul3A_97 : i32 to vector<16xi32>
    %mul3A_99 = arith.muli %add3A_96, %mul3A_98 : vector<16xi32>
    %get3A_100 = arith.constant 48 : index
    %get3A_101 = tpu.vector_load %arg5[%get3A_100] {strides = array<i32>} : memref<512xi32, #tpu.memory_space<vmem>>, vector<16xi32>,
    %get3A_102 = vector.shape_cast %get3A_101 : vector<16xi32> to vector<16xi32>
    %add3A_103 = arith.addi %mul3A_99, %get3A_102 : vector<16xi32>
    %swap3A_104 = arith.constant 48 : index
    %swap3A_105 = tpu.vector_load %arg6[%swap3A_104] {strides = array<i32>} : memref<128xi32, #tpu.memory_space<vmem>>, vector<16xi32>,
    %swap3A_106 = vector.shape_cast %swap3A_105 : vector<16xi32> to vector<16xi32>
    %swap3A_107 = vector.shape_cast %add3A_103 : vector<16xi32> to vector<16xi32>
    tpu.vector_store %arg6[%swap3A_104], %swap3A_107 {strides = array<i32>} : memref<128xi32, #tpu.memory_space<vmem>>, vector<16xi32>,
    %add3A_108 = arith.constant 64 : i32
    %add3A_109 = arith.addi %mul3A_2, %add3A_108 : i32
    %add3A_110 = vector.broadcast %add3A_109 : i32 to vector<16xi32>
    %add3A_111 = arith.addi %add3A_110, %iota3A : vector<16xi32>
    %mul3A_112 = arith.constant 1024 : i32
    %mul3A_113 = vector.broadcast %mul3A_112 : i32 to vector<16xi32>
    %mul3A_114 = arith.muli %add3A_111, %mul3A_113 : vector<16xi32>
    %get3A_115 = arith.constant 64 : index
    %get3A_116 = tpu.vector_load %arg5[%get3A_115] {strides = array<i32>} : memref<512xi32, #tpu.memory_space<vmem>>, vector<16xi32>,
    %get3A_117 = vector.shape_cast %get3A_116 : vector<16xi32> to vector<16xi32>
    %add3A_118 = arith.addi %mul3A_114, %get3A_117 : vector<16xi32>
    %swap3A_119 = arith.constant 64 : index
    %swap3A_120 = tpu.vector_load %arg6[%swap3A_119] {strides = array<i32>} : memref<128xi32, #tpu.memory_space<vmem>>, vector<16xi32>,
    %swap3A_121 = vector.shape_cast %swap3A_120 : vector<16xi32> to vector<16xi32>
    %swap3A_122 = vector.shape_cast %add3A_118 : vector<16xi32> to vector<16xi32>
    tpu.vector_store %arg6[%swap3A_119], %swap3A_122 {strides = array<i32>} : memref<128xi32, #tpu.memory_space<vmem>>, vector<16xi32>,
    %add3A_123 = arith.constant 80 : i32
    %add3A_124 = arith.addi %mul3A_2, %add3A_123 : i32
    %add3A_125 = vector.broadcast %add3A_124 : i32 to vector<16xi32>
    %add3A_126 = arith.addi %add3A_125, %iota3A : vector<16xi32>
    %mul3A_127 = arith.constant 1024 : i32
    %mul3A_128 = vector.broadcast %mul3A_127 : i32 to vector<16xi32>
    %mul3A_129 = arith.muli %add3A_126, %mul3A_128 : vector<16xi32>
    %get3A_130 = arith.constant 80 : index
    %get3A_131 = tpu.vector_load %arg5[%get3A_130] {strides = array<i32>} : memref<512xi32, #tpu.memory_space<vmem>>, vector<16xi32>,
    %get3A_132 = vector.shape_cast %get3A_131 : vector<16xi32> to vector<16xi32>
    %add3A_133 = arith.addi %mul3A_129, %get3A_132 : vector<16xi32>
    %swap3A_134 = arith.constant 80 : index
    %swap3A_135 = tpu.vector_load %arg6[%swap3A_134] {strides = array<i32>} : memref<128xi32, #tpu.memory_space<vmem>>, vector<16xi32>,
    %swap3A_136 = vector.shape_cast %swap3A_135 : vector<16xi32> to vector<16xi32>
    %swap3A_137 = vector.shape_cast %add3A_133 : vector<16xi32> to vector<16xi32>
    tpu.vector_store %arg6[%swap3A_134], %swap3A_137 {strides = array<i32>} : memref<128xi32, #tpu.memory_space<vmem>>, vector<16xi32>,
    %add3A_138 = arith.constant 96 : i32
    %add3A_139 = arith.addi %mul3A_2, %add3A_138 : i32
    %add3A_140 = vector.broadcast %add3A_139 : i32 to vector<16xi32>
    %add3A_141 = arith.addi %add3A_140, %iota3A : vector<16xi32>
    %mul3A_142 = arith.constant 1024 : i32
    %mul3A_143 = vector.broadcast %mul3A_142 : i32 to vector<16xi32>
    %mul3A_144 = arith.muli %add3A_141, %mul3A_143 : vector<16xi32>
    %get3A_145 = arith.constant 96 : index
    %get3A_146 = tpu.vector_load %arg5[%get3A_145] {strides = array<i32>} : memref<512xi32, #tpu.memory_space<vmem>>, vector<16xi32>,
    %get3A_147 = vector.shape_cast %get3A_146 : vector<16xi32> to vector<16xi32>
    %add3A_148 = arith.addi %mul3A_144, %get3A_147 : vector<16xi32>
    %swap3A_149 = arith.constant 96 : index
    %swap3A_150 = tpu.vector_load %arg6[%swap3A_149] {strides = array<i32>} : memref<128xi32, #tpu.memory_space<vmem>>, vector<16xi32>,
    %swap3A_151 = vector.shape_cast %swap3A_150 : vector<16xi32> to vector<16xi32>
    %swap3A_152 = vector.shape_cast %add3A_148 : vector<16xi32> to vector<16xi32>
    tpu.vector_store %arg6[%swap3A_149], %swap3A_152 {strides = array<i32>} : memref<128xi32, #tpu.memory_space<vmem>>, vector<16xi32>,
    %add3A_153 = arith.constant 112 : i32
    %add3A_154 = arith.addi %mul3A_2, %add3A_153 : i32
    %add3A_155 = vector.broadcast %add3A_154 : i32 to vector<16xi32>
    %add3A_156 = arith.addi %add3A_155, %iota3A : vector<16xi32>
    %mul3A_157 = arith.constant 1024 : i32
    %mul3A_158 = vector.broadcast %mul3A_157 : i32 to vector<16xi32>
    %mul3A_159 = arith.muli %add3A_156, %mul3A_158 : vector<16xi32>
    %get3A_160 = arith.constant 112 : index
    %get3A_161 = tpu.vector_load %arg5[%get3A_160] {strides = array<i32>} : memref<512xi32, #tpu.memory_space<vmem>>, vector<16xi32>,
    %get3A_162 = vector.shape_cast %get3A_161 : vector<16xi32> to vector<16xi32>
    %add3A_163 = arith.addi %mul3A_159, %get3A_162 : vector<16xi32>
    %swap3A_164 = arith.constant 112 : index
    %swap3A_165 = tpu.vector_load %arg6[%swap3A_164] {strides = array<i32>} : memref<128xi32, #tpu.memory_space<vmem>>, vector<16xi32>,
    %swap3A_166 = vector.shape_cast %swap3A_165 : vector<16xi32> to vector<16xi32>
    %swap3A_167 = vector.shape_cast %add3A_163 : vector<16xi32> to vector<16xi32>
    tpu.vector_store %arg6[%swap3A_164], %swap3A_167 {strides = array<i32>} : memref<128xi32, #tpu.memory_space<vmem>>, vector<16xi32>,
    %dma_start3A = arith.constant 0 : i32
    %dma_start3A_168 = tpu.memref_slice %arg3[%dma_start3A] : memref<16777216xf32, #tpu.memory_space<hbm>> -> memref<16777216xf32, #tpu.memory_space<hbm>>
    tpu.enqueue_indirect_dma source(%arg7 : memref<128xf32, #tpu.memory_space<vmem>>) target(%dma_start3A_168 : memref<16777216xf32, #tpu.memory_space<hbm>>) offsets(%arg6 : memref<128xi32, #tpu.memory_space<vmem>>) semaphore(%arg8 : memref<!tpu.dma_semaphore, #tpu.memory_space<semaphore_mem>>)
    %dma_wait3A = arith.constant 0 : i32
    %dma_wait3A_169 = tpu.memref_slice %arg3[%dma_wait3A] : memref<16777216xf32, #tpu.memory_space<hbm>> -> memref<16777216xf32, #tpu.memory_space<hbm>>
    tpu.wait_indirect_dma semaphore(%arg8 : memref<!tpu.dma_semaphore, #tpu.memory_space<semaphore_mem>>) src(%arg7 : memref<128xf32, #tpu.memory_space<vmem>>) dst(%dma_wait3A_169 : memref<16777216xf32, #tpu.memory_space<hbm>>)
    %add3A_170 = arith.constant 128 : i32
    %add3A_171 = arith.addi %mul3A_2, %add3A_170 : i32
    %add3A_172 = vector.broadcast %add3A_171 : i32 to vector<16xi32>
    %add3A_173 = arith.addi %add3A_172, %iota3A : vector<16xi32>
    %mul3A_174 = arith.constant 1024 : i32
    %mul3A_175 = vector.broadcast %mul3A_174 : i32 to vector<16xi32>
    %mul3A_176 = arith.muli %add3A_173, %mul3A_175 : vector<16xi32>
    %get3A_177 = arith.constant 128 : index
    %get3A_178 = tpu.vector_load %arg5[%get3A_177] {strides = array<i32>} : memref<512xi32, #tpu.memory_space<vmem>>, vector<16xi32>,
    %get3A_179 = vector.shape_cast %get3A_178 : vector<16xi32> to vector<16xi32>
    %add3A_180 = arith.addi %mul3A_176, %get3A_179 : vector<16xi32>
    %swap3A_181 = arith.constant 0 : index
    %swap3A_182 = tpu.vector_load %arg6[%swap3A_181] {strides = array<i32>} : memref<128xi32, #tpu.memory_space<vmem>>, vector<16xi32>,
    %swap3A_183 = vector.shape_cast %swap3A_182 : vector<16xi32> to vector<16xi32>
    %swap3A_184 = vector.shape_cast %add3A_180 : vector<16xi32> to vector<16xi32>
    tpu.vector_store %arg6[%swap3A_181], %swap3A_184 {strides = array<i32>} : memref<128xi32, #tpu.memory_space<vmem>>, vector<16xi32>,
    %add3A_185 = arith.constant 144 : i32
    %add3A_186 = arith.addi %mul3A_2, %add3A_185 : i32
    %add3A_187 = vector.broadcast %add3A_186 : i32 to vector<16xi32>
    %add3A_188 = arith.addi %add3A_187, %iota3A : vector<16xi32>
    %mul3A_189 = arith.constant 1024 : i32
    %mul3A_190 = vector.broadcast %mul3A_189 : i32 to vector<16xi32>
    %mul3A_191 = arith.muli %add3A_188, %mul3A_190 : vector<16xi32>
    %get3A_192 = arith.constant 144 : index
    %get3A_193 = tpu.vector_load %arg5[%get3A_192] {strides = array<i32>} : memref<512xi32, #tpu.memory_space<vmem>>, vector<16xi32>,
    %get3A_194 = vector.shape_cast %get3A_193 : vector<16xi32> to vector<16xi32>
    %add3A_195 = arith.addi %mul3A_191, %get3A_194 : vector<16xi32>
    %swap3A_196 = arith.constant 16 : index
    %swap3A_197 = tpu.vector_load %arg6[%swap3A_196] {strides = array<i32>} : memref<128xi32, #tpu.memory_space<vmem>>, vector<16xi32>,
    %swap3A_198 = vector.shape_cast %swap3A_197 : vector<16xi32> to vector<16xi32>
    %swap3A_199 = vector.shape_cast %add3A_195 : vector<16xi32> to vector<16xi32>
    tpu.vector_store %arg6[%swap3A_196], %swap3A_199 {strides = array<i32>} : memref<128xi32, #tpu.memory_space<vmem>>, vector<16xi32>,
    %add3A_200 = arith.constant 160 : i32
    %add3A_201 = arith.addi %mul3A_2, %add3A_200 : i32
    %add3A_202 = vector.broadcast %add3A_201 : i32 to vector<16xi32>
    %add3A_203 = arith.addi %add3A_202, %iota3A : vector<16xi32>
    %mul3A_204 = arith.constant 1024 : i32
    %mul3A_205 = vector.broadcast %mul3A_204 : i32 to vector<16xi32>
    %mul3A_206 = arith.muli %add3A_203, %mul3A_205 : vector<16xi32>
    %get3A_207 = arith.constant 160 : index
    %get3A_208 = tpu.vector_load %arg5[%get3A_207] {strides = array<i32>} : memref<512xi32, #tpu.memory_space<vmem>>, vector<16xi32>,
    %get3A_209 = vector.shape_cast %get3A_208 : vector<16xi32> to vector<16xi32>
    %add3A_210 = arith.addi %mul3A_206, %get3A_209 : vector<16xi32>
    %swap3A_211 = arith.constant 32 : index
    %swap3A_212 = tpu.vector_load %arg6[%swap3A_211] {strides = array<i32>} : memref<128xi32, #tpu.memory_space<vmem>>, vector<16xi32>,
    %swap3A_213 = vector.shape_cast %swap3A_212 : vector<16xi32> to vector<16xi32>
    %swap3A_214 = vector.shape_cast %add3A_210 : vector<16xi32> to vector<16xi32>
    tpu.vector_store %arg6[%swap3A_211], %swap3A_214 {strides = array<i32>} : memref<128xi32, #tpu.memory_space<vmem>>, vector<16xi32>,
    %add3A_215 = arith.constant 176 : i32
    %add3A_216 = arith.addi %mul3A_2, %add3A_215 : i32
    %add3A_217 = vector.broadcast %add3A_216 : i32 to vector<16xi32>
    %add3A_218 = arith.addi %add3A_217, %iota3A : vector<16xi32>
    %mul3A_219 = arith.constant 1024 : i32
    %mul3A_220 = vector.broadcast %mul3A_219 : i32 to vector<16xi32>
    %mul3A_221 = arith.muli %add3A_218, %mul3A_220 : vector<16xi32>
    %get3A_222 = arith.constant 176 : index
    %get3A_223 = tpu.vector_load %arg5[%get3A_222] {strides = array<i32>} : memref<512xi32, #tpu.memory_space<vmem>>, vector<16xi32>,
    %get3A_224 = vector.shape_cast %get3A_223 : vector<16xi32> to vector<16xi32>
    %add3A_225 = arith.addi %mul3A_221, %get3A_224 : vector<16xi32>
    %swap3A_226 = arith.constant 48 : index
    %swap3A_227 = tpu.vector_load %arg6[%swap3A_226] {strides = array<i32>} : memref<128xi32, #tpu.memory_space<vmem>>, vector<16xi32>,
    %swap3A_228 = vector.shape_cast %swap3A_227 : vector<16xi32> to vector<16xi32>
    %swap3A_229 = vector.shape_cast %add3A_225 : vector<16xi32> to vector<16xi32>
    tpu.vector_store %arg6[%swap3A_226], %swap3A_229 {strides = array<i32>} : memref<128xi32, #tpu.memory_space<vmem>>, vector<16xi32>,
    %add3A_230 = arith.constant 192 : i32
    %add3A_231 = arith.addi %mul3A_2, %add3A_230 : i32
    %add3A_232 = vector.broadcast %add3A_231 : i32 to vector<16xi32>
    %add3A_233 = arith.addi %add3A_232, %iota3A : vector<16xi32>
    %mul3A_234 = arith.constant 1024 : i32
    %mul3A_235 = vector.broadcast %mul3A_234 : i32 to vector<16xi32>
    %mul3A_236 = arith.muli %add3A_233, %mul3A_235 : vector<16xi32>
    %get3A_237 = arith.constant 192 : index
    %get3A_238 = tpu.vector_load %arg5[%get3A_237] {strides = array<i32>} : memref<512xi32, #tpu.memory_space<vmem>>, vector<16xi32>,
    %get3A_239 = vector.shape_cast %get3A_238 : vector<16xi32> to vector<16xi32>
    %add3A_240 = arith.addi %mul3A_236, %get3A_239 : vector<16xi32>
    %swap3A_241 = arith.constant 64 : index
    %swap3A_242 = tpu.vector_load %arg6[%swap3A_241] {strides = array<i32>} : memref<128xi32, #tpu.memory_space<vmem>>, vector<16xi32>,
    %swap3A_243 = vector.shape_cast %swap3A_242 : vector<16xi32> to vector<16xi32>
    %swap3A_244 = vector.shape_cast %add3A_240 : vector<16xi32> to vector<16xi32>
    tpu.vector_store %arg6[%swap3A_241], %swap3A_244 {strides = array<i32>} : memref<128xi32, #tpu.memory_space<vmem>>, vector<16xi32>,
    %add3A_245 = arith.constant 208 : i32
    %add3A_246 = arith.addi %mul3A_2, %add3A_245 : i32
    %add3A_247 = vector.broadcast %add3A_246 : i32 to vector<16xi32>
    %add3A_248 = arith.addi %add3A_247, %iota3A : vector<16xi32>
    %mul3A_249 = arith.constant 1024 : i32
    %mul3A_250 = vector.broadcast %mul3A_249 : i32 to vector<16xi32>
    %mul3A_251 = arith.muli %add3A_248, %mul3A_250 : vector<16xi32>
    %get3A_252 = arith.constant 208 : index
    %get3A_253 = tpu.vector_load %arg5[%get3A_252] {strides = array<i32>} : memref<512xi32, #tpu.memory_space<vmem>>, vector<16xi32>,
    %get3A_254 = vector.shape_cast %get3A_253 : vector<16xi32> to vector<16xi32>
    %add3A_255 = arith.addi %mul3A_251, %get3A_254 : vector<16xi32>
    %swap3A_256 = arith.constant 80 : index
    %swap3A_257 = tpu.vector_load %arg6[%swap3A_256] {strides = array<i32>} : memref<128xi32, #tpu.memory_space<vmem>>, vector<16xi32>,
    %swap3A_258 = vector.shape_cast %swap3A_257 : vector<16xi32> to vector<16xi32>
    %swap3A_259 = vector.shape_cast %add3A_255 : vector<16xi32> to vector<16xi32>
    tpu.vector_store %arg6[%swap3A_256], %swap3A_259 {strides = array<i32>} : memref<128xi32, #tpu.memory_space<vmem>>, vector<16xi32>,
    %add3A_260 = arith.constant 224 : i32
    %add3A_261 = arith.addi %mul3A_2, %add3A_260 : i32
    %add3A_262 = vector.broadcast %add3A_261 : i32 to vector<16xi32>
    %add3A_263 = arith.addi %add3A_262, %iota3A : vector<16xi32>
    %mul3A_264 = arith.constant 1024 : i32
    %mul3A_265 = vector.broadcast %mul3A_264 : i32 to vector<16xi32>
    %mul3A_266 = arith.muli %add3A_263, %mul3A_265 : vector<16xi32>
    %get3A_267 = arith.constant 224 : index
    %get3A_268 = tpu.vector_load %arg5[%get3A_267] {strides = array<i32>} : memref<512xi32, #tpu.memory_space<vmem>>, vector<16xi32>,
    %get3A_269 = vector.shape_cast %get3A_268 : vector<16xi32> to vector<16xi32>
    %add3A_270 = arith.addi %mul3A_266, %get3A_269 : vector<16xi32>
    %swap3A_271 = arith.constant 96 : index
    %swap3A_272 = tpu.vector_load %arg6[%swap3A_271] {strides = array<i32>} : memref<128xi32, #tpu.memory_space<vmem>>, vector<16xi32>,
    %swap3A_273 = vector.shape_cast %swap3A_272 : vector<16xi32> to vector<16xi32>
    %swap3A_274 = vector.shape_cast %add3A_270 : vector<16xi32> to vector<16xi32>
    tpu.vector_store %arg6[%swap3A_271], %swap3A_274 {strides = array<i32>} : memref<128xi32, #tpu.memory_space<vmem>>, vector<16xi32>,
    %add3A_275 = arith.constant 240 : i32
    %add3A_276 = arith.addi %mul3A_2, %add3A_275 : i32
    %add3A_277 = vector.broadcast %add3A_276 : i32 to vector<16xi32>
    %add3A_278 = arith.addi %add3A_277, %iota3A : vector<16xi32>
    %mul3A_279 = arith.constant 1024 : i32
    %mul3A_280 = vector.broadcast %mul3A_279 : i32 to vector<16xi32>
    %mul3A_281 = arith.muli %add3A_278, %mul3A_280 : vector<16xi32>
    %get3A_282 = arith.constant 240 : index
    %get3A_283 = tpu.vector_load %arg5[%get3A_282] {strides = array<i32>} : memref<512xi32, #tpu.memory_space<vmem>>, vector<16xi32>,
    %get3A_284 = vector.shape_cast %get3A_283 : vector<16xi32> to vector<16xi32>
    %add3A_285 = arith.addi %mul3A_281, %get3A_284 : vector<16xi32>
    %swap3A_286 = arith.constant 112 : index
    %swap3A_287 = tpu.vector_load %arg6[%swap3A_286] {strides = array<i32>} : memref<128xi32, #tpu.memory_space<vmem>>, vector<16xi32>,
    %swap3A_288 = vector.shape_cast %swap3A_287 : vector<16xi32> to vector<16xi32>
    %swap3A_289 = vector.shape_cast %add3A_285 : vector<16xi32> to vector<16xi32>
    tpu.vector_store %arg6[%swap3A_286], %swap3A_289 {strides = array<i32>} : memref<128xi32, #tpu.memory_space<vmem>>, vector<16xi32>,
    %dma_start3A_290 = arith.constant 0 : i32
    %dma_start3A_291 = tpu.memref_slice %arg3[%dma_start3A_290] : memref<16777216xf32, #tpu.memory_space<hbm>> -> memref<16777216xf32, #tpu.memory_space<hbm>>
    tpu.enqueue_indirect_dma source(%arg7 : memref<128xf32, #tpu.memory_space<vmem>>) target(%dma_start3A_291 : memref<16777216xf32, #tpu.memory_space<hbm>>) offsets(%arg6 : memref<128xi32, #tpu.memory_space<vmem>>) semaphore(%arg8 : memref<!tpu.dma_semaphore, #tpu.memory_space<semaphore_mem>>)
    %dma_wait3A_292 = arith.constant 0 : i32
    %dma_wait3A_293 = tpu.memref_slice %arg3[%dma_wait3A_292] : memref<16777216xf32, #tpu.memory_space<hbm>> -> memref<16777216xf32, #tpu.memory_space<hbm>>
    tpu.wait_indirect_dma semaphore(%arg8 : memref<!tpu.dma_semaphore, #tpu.memory_space<semaphore_mem>>) src(%arg7 : memref<128xf32, #tpu.memory_space<vmem>>) dst(%dma_wait3A_293 : memref<16777216xf32, #tpu.memory_space<hbm>>)
    %add3A_294 = arith.constant 256 : i32
    %add3A_295 = arith.addi %mul3A_2, %add3A_294 : i32
    %add3A_296 = vector.broadcast %add3A_295 : i32 to vector<16xi32>
    %add3A_297 = arith.addi %add3A_296, %iota3A : vector<16xi32>
    %mul3A_298 = arith.constant 1024 : i32
    %mul3A_299 = vector.broadcast %mul3A_298 : i32 to vector<16xi32>
    %mul3A_300 = arith.muli %add3A_297, %mul3A_299 : vector<16xi32>
    %get3A_301 = arith.constant 256 : index
    %get3A_302 = tpu.vector_load %arg5[%get3A_301] {strides = array<i32>} : memref<512xi32, #tpu.memory_space<vmem>>, vector<16xi32>,
    %get3A_303 = vector.shape_cast %get3A_302 : vector<16xi32> to vector<16xi32>
    %add3A_304 = arith.addi %mul3A_300, %get3A_303 : vector<16xi32>
    %swap3A_305 = arith.constant 0 : index
    %swap3A_306 = tpu.vector_load %arg6[%swap3A_305] {strides = array<i32>} : memref<128xi32, #tpu.memory_space<vmem>>, vector<16xi32>,
    %swap3A_307 = vector.shape_cast %swap3A_306 : vector<16xi32> to vector<16xi32>
    %swap3A_308 = vector.shape_cast %add3A_304 : vector<16xi32> to vector<16xi32>
    tpu.vector_store %arg6[%swap3A_305], %swap3A_308 {strides = array<i32>} : memref<128xi32, #tpu.memory_space<vmem>>, vector<16xi32>,
    %add3A_309 = arith.constant 272 : i32
    %add3A_310 = arith.addi %mul3A_2, %add3A_309 : i32
    %add3A_311 = vector.broadcast %add3A_310 : i32 to vector<16xi32>
    %add3A_312 = arith.addi %add3A_311, %iota3A : vector<16xi32>
    %mul3A_313 = arith.constant 1024 : i32
    %mul3A_314 = vector.broadcast %mul3A_313 : i32 to vector<16xi32>
    %mul3A_315 = arith.muli %add3A_312, %mul3A_314 : vector<16xi32>
    %get3A_316 = arith.constant 272 : index
    %get3A_317 = tpu.vector_load %arg5[%get3A_316] {strides = array<i32>} : memref<512xi32, #tpu.memory_space<vmem>>, vector<16xi32>,
    %get3A_318 = vector.shape_cast %get3A_317 : vector<16xi32> to vector<16xi32>
    %add3A_319 = arith.addi %mul3A_315, %get3A_318 : vector<16xi32>
    %swap3A_320 = arith.constant 16 : index
    %swap3A_321 = tpu.vector_load %arg6[%swap3A_320] {strides = array<i32>} : memref<128xi32, #tpu.memory_space<vmem>>, vector<16xi32>,
    %swap3A_322 = vector.shape_cast %swap3A_321 : vector<16xi32> to vector<16xi32>
    %swap3A_323 = vector.shape_cast %add3A_319 : vector<16xi32> to vector<16xi32>
    tpu.vector_store %arg6[%swap3A_320], %swap3A_323 {strides = array<i32>} : memref<128xi32, #tpu.memory_space<vmem>>, vector<16xi32>,
    %add3A_324 = arith.constant 288 : i32
    %add3A_325 = arith.addi %mul3A_2, %add3A_324 : i32
    %add3A_326 = vector.broadcast %add3A_325 : i32 to vector<16xi32>
    %add3A_327 = arith.addi %add3A_326, %iota3A : vector<16xi32>
    %mul3A_328 = arith.constant 1024 : i32
    %mul3A_329 = vector.broadcast %mul3A_328 : i32 to vector<16xi32>
    %mul3A_330 = arith.muli %add3A_327, %mul3A_329 : vector<16xi32>
    %get3A_331 = arith.constant 288 : index
    %get3A_332 = tpu.vector_load %arg5[%get3A_331] {strides = array<i32>} : memref<512xi32, #tpu.memory_space<vmem>>, vector<16xi32>,
    %get3A_333 = vector.shape_cast %get3A_332 : vector<16xi32> to vector<16xi32>
    %add3A_334 = arith.addi %mul3A_330, %get3A_333 : vector<16xi32>
    %swap3A_335 = arith.constant 32 : index
    %swap3A_336 = tpu.vector_load %arg6[%swap3A_335] {strides = array<i32>} : memref<128xi32, #tpu.memory_space<vmem>>, vector<16xi32>,
    %swap3A_337 = vector.shape_cast %swap3A_336 : vector<16xi32> to vector<16xi32>
    %swap3A_338 = vector.shape_cast %add3A_334 : vector<16xi32> to vector<16xi32>
    tpu.vector_store %arg6[%swap3A_335], %swap3A_338 {strides = array<i32>} : memref<128xi32, #tpu.memory_space<vmem>>, vector<16xi32>,
    %add3A_339 = arith.constant 304 : i32
    %add3A_340 = arith.addi %mul3A_2, %add3A_339 : i32
    %add3A_341 = vector.broadcast %add3A_340 : i32 to vector<16xi32>
    %add3A_342 = arith.addi %add3A_341, %iota3A : vector<16xi32>
    %mul3A_343 = arith.constant 1024 : i32
    %mul3A_344 = vector.broadcast %mul3A_343 : i32 to vector<16xi32>
    %mul3A_345 = arith.muli %add3A_342, %mul3A_344 : vector<16xi32>
    %get3A_346 = arith.constant 304 : index
    %get3A_347 = tpu.vector_load %arg5[%get3A_346] {strides = array<i32>} : memref<512xi32, #tpu.memory_space<vmem>>, vector<16xi32>,
    %get3A_348 = vector.shape_cast %get3A_347 : vector<16xi32> to vector<16xi32>
    %add3A_349 = arith.addi %mul3A_345, %get3A_348 : vector<16xi32>
    %swap3A_350 = arith.constant 48 : index
    %swap3A_351 = tpu.vector_load %arg6[%swap3A_350] {strides = array<i32>} : memref<128xi32, #tpu.memory_space<vmem>>, vector<16xi32>,
    %swap3A_352 = vector.shape_cast %swap3A_351 : vector<16xi32> to vector<16xi32>
    %swap3A_353 = vector.shape_cast %add3A_349 : vector<16xi32> to vector<16xi32>
    tpu.vector_store %arg6[%swap3A_350], %swap3A_353 {strides = array<i32>} : memref<128xi32, #tpu.memory_space<vmem>>, vector<16xi32>,
    %add3A_354 = arith.constant 320 : i32
    %add3A_355 = arith.addi %mul3A_2, %add3A_354 : i32
    %add3A_356 = vector.broadcast %add3A_355 : i32 to vector<16xi32>
    %add3A_357 = arith.addi %add3A_356, %iota3A : vector<16xi32>
    %mul3A_358 = arith.constant 1024 : i32
    %mul3A_359 = vector.broadcast %mul3A_358 : i32 to vector<16xi32>
    %mul3A_360 = arith.muli %add3A_357, %mul3A_359 : vector<16xi32>
    %get3A_361 = arith.constant 320 : index
    %get3A_362 = tpu.vector_load %arg5[%get3A_361] {strides = array<i32>} : memref<512xi32, #tpu.memory_space<vmem>>, vector<16xi32>,
    %get3A_363 = vector.shape_cast %get3A_362 : vector<16xi32> to vector<16xi32>
    %add3A_364 = arith.addi %mul3A_360, %get3A_363 : vector<16xi32>
    %swap3A_365 = arith.constant 64 : index
    %swap3A_366 = tpu.vector_load %arg6[%swap3A_365] {strides = array<i32>} : memref<128xi32, #tpu.memory_space<vmem>>, vector<16xi32>,
    %swap3A_367 = vector.shape_cast %swap3A_366 : vector<16xi32> to vector<16xi32>
    %swap3A_368 = vector.shape_cast %add3A_364 : vector<16xi32> to vector<16xi32>
    tpu.vector_store %arg6[%swap3A_365], %swap3A_368 {strides = array<i32>} : memref<128xi32, #tpu.memory_space<vmem>>, vector<16xi32>,
    %add3A_369 = arith.constant 336 : i32
    %add3A_370 = arith.addi %mul3A_2, %add3A_369 : i32
    %add3A_371 = vector.broadcast %add3A_370 : i32 to vector<16xi32>
    %add3A_372 = arith.addi %add3A_371, %iota3A : vector<16xi32>
    %mul3A_373 = arith.constant 1024 : i32
    %mul3A_374 = vector.broadcast %mul3A_373 : i32 to vector<16xi32>
    %mul3A_375 = arith.muli %add3A_372, %mul3A_374 : vector<16xi32>
    %get3A_376 = arith.constant 336 : index
    %get3A_377 = tpu.vector_load %arg5[%get3A_376] {strides = array<i32>} : memref<512xi32, #tpu.memory_space<vmem>>, vector<16xi32>,
    %get3A_378 = vector.shape_cast %get3A_377 : vector<16xi32> to vector<16xi32>
    %add3A_379 = arith.addi %mul3A_375, %get3A_378 : vector<16xi32>
    %swap3A_380 = arith.constant 80 : index
    %swap3A_381 = tpu.vector_load %arg6[%swap3A_380] {strides = array<i32>} : memref<128xi32, #tpu.memory_space<vmem>>, vector<16xi32>,
    %swap3A_382 = vector.shape_cast %swap3A_381 : vector<16xi32> to vector<16xi32>
    %swap3A_383 = vector.shape_cast %add3A_379 : vector<16xi32> to vector<16xi32>
    tpu.vector_store %arg6[%swap3A_380], %swap3A_383 {strides = array<i32>} : memref<128xi32, #tpu.memory_space<vmem>>, vector<16xi32>,
    %add3A_384 = arith.constant 352 : i32
    %add3A_385 = arith.addi %mul3A_2, %add3A_384 : i32
    %add3A_386 = vector.broadcast %add3A_385 : i32 to vector<16xi32>
    %add3A_387 = arith.addi %add3A_386, %iota3A : vector<16xi32>
    %mul3A_388 = arith.constant 1024 : i32
    %mul3A_389 = vector.broadcast %mul3A_388 : i32 to vector<16xi32>
    %mul3A_390 = arith.muli %add3A_387, %mul3A_389 : vector<16xi32>
    %get3A_391 = arith.constant 352 : index
    %get3A_392 = tpu.vector_load %arg5[%get3A_391] {strides = array<i32>} : memref<512xi32, #tpu.memory_space<vmem>>, vector<16xi32>,
    %get3A_393 = vector.shape_cast %get3A_392 : vector<16xi32> to vector<16xi32>
    %add3A_394 = arith.addi %mul3A_390, %get3A_393 : vector<16xi32>
    %swap3A_395 = arith.constant 96 : index
    %swap3A_396 = tpu.vector_load %arg6[%swap3A_395] {strides = array<i32>} : memref<128xi32, #tpu.memory_space<vmem>>, vector<16xi32>,
    %swap3A_397 = vector.shape_cast %swap3A_396 : vector<16xi32> to vector<16xi32>
    %swap3A_398 = vector.shape_cast %add3A_394 : vector<16xi32> to vector<16xi32>
    tpu.vector_store %arg6[%swap3A_395], %swap3A_398 {strides = array<i32>} : memref<128xi32, #tpu.memory_space<vmem>>, vector<16xi32>,
    %add3A_399 = arith.constant 368 : i32
    %add3A_400 = arith.addi %mul3A_2, %add3A_399 : i32
    %add3A_401 = vector.broadcast %add3A_400 : i32 to vector<16xi32>
    %add3A_402 = arith.addi %add3A_401, %iota3A : vector<16xi32>
    %mul3A_403 = arith.constant 1024 : i32
    %mul3A_404 = vector.broadcast %mul3A_403 : i32 to vector<16xi32>
    %mul3A_405 = arith.muli %add3A_402, %mul3A_404 : vector<16xi32>
    %get3A_406 = arith.constant 368 : index
    %get3A_407 = tpu.vector_load %arg5[%get3A_406] {strides = array<i32>} : memref<512xi32, #tpu.memory_space<vmem>>, vector<16xi32>,
    %get3A_408 = vector.shape_cast %get3A_407 : vector<16xi32> to vector<16xi32>
    %add3A_409 = arith.addi %mul3A_405, %get3A_408 : vector<16xi32>
    %swap3A_410 = arith.constant 112 : index
    %swap3A_411 = tpu.vector_load %arg6[%swap3A_410] {strides = array<i32>} : memref<128xi32, #tpu.memory_space<vmem>>, vector<16xi32>,
    %swap3A_412 = vector.shape_cast %swap3A_411 : vector<16xi32> to vector<16xi32>
    %swap3A_413 = vector.shape_cast %add3A_409 : vector<16xi32> to vector<16xi32>
    tpu.vector_store %arg6[%swap3A_410], %swap3A_413 {strides = array<i32>} : memref<128xi32, #tpu.memory_space<vmem>>, vector<16xi32>,
    %dma_start3A_414 = arith.constant 0 : i32
    %dma_start3A_415 = tpu.memref_slice %arg3[%dma_start3A_414] : memref<16777216xf32, #tpu.memory_space<hbm>> -> memref<16777216xf32, #tpu.memory_space<hbm>>
    tpu.enqueue_indirect_dma source(%arg7 : memref<128xf32, #tpu.memory_space<vmem>>) target(%dma_start3A_415 : memref<16777216xf32, #tpu.memory_space<hbm>>) offsets(%arg6 : memref<128xi32, #tpu.memory_space<vmem>>) semaphore(%arg8 : memref<!tpu.dma_semaphore, #tpu.memory_space<semaphore_mem>>)
    %dma_wait3A_416 = arith.constant 0 : i32
    %dma_wait3A_417 = tpu.memref_slice %arg3[%dma_wait3A_416] : memref<16777216xf32, #tpu.memory_space<hbm>> -> memref<16777216xf32, #tpu.memory_space<hbm>>
    tpu.wait_indirect_dma semaphore(%arg8 : memref<!tpu.dma_semaphore, #tpu.memory_space<semaphore_mem>>) src(%arg7 : memref<128xf32, #tpu.memory_space<vmem>>) dst(%dma_wait3A_417 : memref<16777216xf32, #tpu.memory_space<hbm>>)
    %add3A_418 = arith.constant 384 : i32
    %add3A_419 = arith.addi %mul3A_2, %add3A_418 : i32
    %add3A_420 = vector.broadcast %add3A_419 : i32 to vector<16xi32>
    %add3A_421 = arith.addi %add3A_420, %iota3A : vector<16xi32>
    %mul3A_422 = arith.constant 1024 : i32
    %mul3A_423 = vector.broadcast %mul3A_422 : i32 to vector<16xi32>
    %mul3A_424 = arith.muli %add3A_421, %mul3A_423 : vector<16xi32>
    %get3A_425 = arith.constant 384 : index
    %get3A_426 = tpu.vector_load %arg5[%get3A_425] {strides = array<i32>} : memref<512xi32, #tpu.memory_space<vmem>>, vector<16xi32>,
    %get3A_427 = vector.shape_cast %get3A_426 : vector<16xi32> to vector<16xi32>
    %add3A_428 = arith.addi %mul3A_424, %get3A_427 : vector<16xi32>
    %swap3A_429 = arith.constant 0 : index
    %swap3A_430 = tpu.vector_load %arg6[%swap3A_429] {strides = array<i32>} : memref<128xi32, #tpu.memory_space<vmem>>, vector<16xi32>,
    %swap3A_431 = vector.shape_cast %swap3A_430 : vector<16xi32> to vector<16xi32>
    %swap3A_432 = vector.shape_cast %add3A_428 : vector<16xi32> to vector<16xi32>
    tpu.vector_store %arg6[%swap3A_429], %swap3A_432 {strides = array<i32>} : memref<128xi32, #tpu.memory_space<vmem>>, vector<16xi32>,
    %add3A_433 = arith.constant 400 : i32
    %add3A_434 = arith.addi %mul3A_2, %add3A_433 : i32
    %add3A_435 = vector.broadcast %add3A_434 : i32 to vector<16xi32>
    %add3A_436 = arith.addi %add3A_435, %iota3A : vector<16xi32>
    %mul3A_437 = arith.constant 1024 : i32
    %mul3A_438 = vector.broadcast %mul3A_437 : i32 to vector<16xi32>
    %mul3A_439 = arith.muli %add3A_436, %mul3A_438 : vector<16xi32>
    %get3A_440 = arith.constant 400 : index
    %get3A_441 = tpu.vector_load %arg5[%get3A_440] {strides = array<i32>} : memref<512xi32, #tpu.memory_space<vmem>>, vector<16xi32>,
    %get3A_442 = vector.shape_cast %get3A_441 : vector<16xi32> to vector<16xi32>
    %add3A_443 = arith.addi %mul3A_439, %get3A_442 : vector<16xi32>
    %swap3A_444 = arith.constant 16 : index
    %swap3A_445 = tpu.vector_load %arg6[%swap3A_444] {strides = array<i32>} : memref<128xi32, #tpu.memory_space<vmem>>, vector<16xi32>,
    %swap3A_446 = vector.shape_cast %swap3A_445 : vector<16xi32> to vector<16xi32>
    %swap3A_447 = vector.shape_cast %add3A_443 : vector<16xi32> to vector<16xi32>
    tpu.vector_store %arg6[%swap3A_444], %swap3A_447 {strides = array<i32>} : memref<128xi32, #tpu.memory_space<vmem>>, vector<16xi32>,
    %add3A_448 = arith.constant 416 : i32
    %add3A_449 = arith.addi %mul3A_2, %add3A_448 : i32
    %add3A_450 = vector.broadcast %add3A_449 : i32 to vector<16xi32>
    %add3A_451 = arith.addi %add3A_450, %iota3A : vector<16xi32>
    %mul3A_452 = arith.constant 1024 : i32
    %mul3A_453 = vector.broadcast %mul3A_452 : i32 to vector<16xi32>
    %mul3A_454 = arith.muli %add3A_451, %mul3A_453 : vector<16xi32>
    %get3A_455 = arith.constant 416 : index
    %get3A_456 = tpu.vector_load %arg5[%get3A_455] {strides = array<i32>} : memref<512xi32, #tpu.memory_space<vmem>>, vector<16xi32>,
    %get3A_457 = vector.shape_cast %get3A_456 : vector<16xi32> to vector<16xi32>
    %add3A_458 = arith.addi %mul3A_454, %get3A_457 : vector<16xi32>
    %swap3A_459 = arith.constant 32 : index
    %swap3A_460 = tpu.vector_load %arg6[%swap3A_459] {strides = array<i32>} : memref<128xi32, #tpu.memory_space<vmem>>, vector<16xi32>,
    %swap3A_461 = vector.shape_cast %swap3A_460 : vector<16xi32> to vector<16xi32>
    %swap3A_462 = vector.shape_cast %add3A_458 : vector<16xi32> to vector<16xi32>
    tpu.vector_store %arg6[%swap3A_459], %swap3A_462 {strides = array<i32>} : memref<128xi32, #tpu.memory_space<vmem>>, vector<16xi32>,
    %add3A_463 = arith.constant 432 : i32
    %add3A_464 = arith.addi %mul3A_2, %add3A_463 : i32
    %add3A_465 = vector.broadcast %add3A_464 : i32 to vector<16xi32>
    %add3A_466 = arith.addi %add3A_465, %iota3A : vector<16xi32>
    %mul3A_467 = arith.constant 1024 : i32
    %mul3A_468 = vector.broadcast %mul3A_467 : i32 to vector<16xi32>
    %mul3A_469 = arith.muli %add3A_466, %mul3A_468 : vector<16xi32>
    %get3A_470 = arith.constant 432 : index
    %get3A_471 = tpu.vector_load %arg5[%get3A_470] {strides = array<i32>} : memref<512xi32, #tpu.memory_space<vmem>>, vector<16xi32>,
    %get3A_472 = vector.shape_cast %get3A_471 : vector<16xi32> to vector<16xi32>
    %add3A_473 = arith.addi %mul3A_469, %get3A_472 : vector<16xi32>
    %swap3A_474 = arith.constant 48 : index
    %swap3A_475 = tpu.vector_load %arg6[%swap3A_474] {strides = array<i32>} : memref<128xi32, #tpu.memory_space<vmem>>, vector<16xi32>,
    %swap3A_476 = vector.shape_cast %swap3A_475 : vector<16xi32> to vector<16xi32>
    %swap3A_477 = vector.shape_cast %add3A_473 : vector<16xi32> to vector<16xi32>
    tpu.vector_store %arg6[%swap3A_474], %swap3A_477 {strides = array<i32>} : memref<128xi32, #tpu.memory_space<vmem>>, vector<16xi32>,
    %add3A_478 = arith.constant 448 : i32
    %add3A_479 = arith.addi %mul3A_2, %add3A_478 : i32
    %add3A_480 = vector.broadcast %add3A_479 : i32 to vector<16xi32>
    %add3A_481 = arith.addi %add3A_480, %iota3A : vector<16xi32>
    %mul3A_482 = arith.constant 1024 : i32
    %mul3A_483 = vector.broadcast %mul3A_482 : i32 to vector<16xi32>
    %mul3A_484 = arith.muli %add3A_481, %mul3A_483 : vector<16xi32>
    %get3A_485 = arith.constant 448 : index
    %get3A_486 = tpu.vector_load %arg5[%get3A_485] {strides = array<i32>} : memref<512xi32, #tpu.memory_space<vmem>>, vector<16xi32>,
    %get3A_487 = vector.shape_cast %get3A_486 : vector<16xi32> to vector<16xi32>
    %add3A_488 = arith.addi %mul3A_484, %get3A_487 : vector<16xi32>
    %swap3A_489 = arith.constant 64 : index
    %swap3A_490 = tpu.vector_load %arg6[%swap3A_489] {strides = array<i32>} : memref<128xi32, #tpu.memory_space<vmem>>, vector<16xi32>,
    %swap3A_491 = vector.shape_cast %swap3A_490 : vector<16xi32> to vector<16xi32>
    %swap3A_492 = vector.shape_cast %add3A_488 : vector<16xi32> to vector<16xi32>
    tpu.vector_store %arg6[%swap3A_489], %swap3A_492 {strides = array<i32>} : memref<128xi32, #tpu.memory_space<vmem>>, vector<16xi32>,
    %add3A_493 = arith.constant 464 : i32
    %add3A_494 = arith.addi %mul3A_2, %add3A_493 : i32
    %add3A_495 = vector.broadcast %add3A_494 : i32 to vector<16xi32>
    %add3A_496 = arith.addi %add3A_495, %iota3A : vector<16xi32>
    %mul3A_497 = arith.constant 1024 : i32
    %mul3A_498 = vector.broadcast %mul3A_497 : i32 to vector<16xi32>
    %mul3A_499 = arith.muli %add3A_496, %mul3A_498 : vector<16xi32>
    %get3A_500 = arith.constant 464 : index
    %get3A_501 = tpu.vector_load %arg5[%get3A_500] {strides = array<i32>} : memref<512xi32, #tpu.memory_space<vmem>>, vector<16xi32>,
    %get3A_502 = vector.shape_cast %get3A_501 : vector<16xi32> to vector<16xi32>
    %add3A_503 = arith.addi %mul3A_499, %get3A_502 : vector<16xi32>
    %swap3A_504 = arith.constant 80 : index
    %swap3A_505 = tpu.vector_load %arg6[%swap3A_504] {strides = array<i32>} : memref<128xi32, #tpu.memory_space<vmem>>, vector<16xi32>,
    %swap3A_506 = vector.shape_cast %swap3A_505 : vector<16xi32> to vector<16xi32>
    %swap3A_507 = vector.shape_cast %add3A_503 : vector<16xi32> to vector<16xi32>
    tpu.vector_store %arg6[%swap3A_504], %swap3A_507 {strides = array<i32>} : memref<128xi32, #tpu.memory_space<vmem>>, vector<16xi32>,
    %add3A_508 = arith.constant 480 : i32
    %add3A_509 = arith.addi %mul3A_2, %add3A_508 : i32
    %add3A_510 = vector.broadcast %add3A_509 : i32 to vector<16xi32>
    %add3A_511 = arith.addi %add3A_510, %iota3A : vector<16xi32>
    %mul3A_512 = arith.constant 1024 : i32
    %mul3A_513 = vector.broadcast %mul3A_512 : i32 to vector<16xi32>
    %mul3A_514 = arith.muli %add3A_511, %mul3A_513 : vector<16xi32>
    %get3A_515 = arith.constant 480 : index
    %get3A_516 = tpu.vector_load %arg5[%get3A_515] {strides = array<i32>} : memref<512xi32, #tpu.memory_space<vmem>>, vector<16xi32>,
    %get3A_517 = vector.shape_cast %get3A_516 : vector<16xi32> to vector<16xi32>
    %add3A_518 = arith.addi %mul3A_514, %get3A_517 : vector<16xi32>
    %swap3A_519 = arith.constant 96 : index
    %swap3A_520 = tpu.vector_load %arg6[%swap3A_519] {strides = array<i32>} : memref<128xi32, #tpu.memory_space<vmem>>, vector<16xi32>,
    %swap3A_521 = vector.shape_cast %swap3A_520 : vector<16xi32> to vector<16xi32>
    %swap3A_522 = vector.shape_cast %add3A_518 : vector<16xi32> to vector<16xi32>
    tpu.vector_store %arg6[%swap3A_519], %swap3A_522 {strides = array<i32>} : memref<128xi32, #tpu.memory_space<vmem>>, vector<16xi32>,
    %add3A_523 = arith.constant 496 : i32
    %add3A_524 = arith.addi %mul3A_2, %add3A_523 : i32
    %add3A_525 = vector.broadcast %add3A_524 : i32 to vector<16xi32>
    %add3A_526 = arith.addi %add3A_525, %iota3A : vector<16xi32>
    %mul3A_527 = arith.constant 1024 : i32
    %mul3A_528 = vector.broadcast %mul3A_527 : i32 to vector<16xi32>
    %mul3A_529 = arith.muli %add3A_526, %mul3A_528 : vector<16xi32>
    %get3A_530 = arith.constant 496 : index
    %get3A_531 = tpu.vector_load %arg5[%get3A_530] {strides = array<i32>} : memref<512xi32, #tpu.memory_space<vmem>>, vector<16xi32>,
    %get3A_532 = vector.shape_cast %get3A_531 : vector<16xi32> to vector<16xi32>
    %add3A_533 = arith.addi %mul3A_529, %get3A_532 : vector<16xi32>
    %swap3A_534 = arith.constant 112 : index
    %swap3A_535 = tpu.vector_load %arg6[%swap3A_534] {strides = array<i32>} : memref<128xi32, #tpu.memory_space<vmem>>, vector<16xi32>,
    %swap3A_536 = vector.shape_cast %swap3A_535 : vector<16xi32> to vector<16xi32>
    %swap3A_537 = vector.shape_cast %add3A_533 : vector<16xi32> to vector<16xi32>
    tpu.vector_store %arg6[%swap3A_534], %swap3A_537 {strides = array<i32>} : memref<128xi32, #tpu.memory_space<vmem>>, vector<16xi32>,
    %dma_start3A_538 = arith.constant 0 : i32
    %dma_start3A_539 = tpu.memref_slice %arg3[%dma_start3A_538] : memref<16777216xf32, #tpu.memory_space<hbm>> -> memref<16777216xf32, #tpu.memory_space<hbm>>
    tpu.enqueue_indirect_dma source(%arg7 : memref<128xf32, #tpu.memory_space<vmem>>) target(%dma_start3A_539 : memref<16777216xf32, #tpu.memory_space<hbm>>) offsets(%arg6 : memref<128xi32, #tpu.memory_space<vmem>>) semaphore(%arg8 : memref<!tpu.dma_semaphore, #tpu.memory_space<semaphore_mem>>)
    %dma_wait3A_540 = arith.constant 0 : i32
    %dma_wait3A_541 = tpu.memref_slice %arg3[%dma_wait3A_540] : memref<16777216xf32, #tpu.memory_space<hbm>> -> memref<16777216xf32, #tpu.memory_space<hbm>>
    tpu.wait_indirect_dma semaphore(%arg8 : memref<!tpu.dma_semaphore, #tpu.memory_space<semaphore_mem>>) src(%arg7 : memref<128xf32, #tpu.memory_space<vmem>>) dst(%dma_wait3A_541 : memref<16777216xf32, #tpu.memory_space<hbm>>)
    return
  }
}

#map = affine_map<(d0, d1) -> (0)>
module attributes {stable_mosaic.version = 14 : i64} {
  func.func @_sc_memset(%arg0: i32, %arg1: i32, %arg2: memref<16777216xf32, #tpu.memory_space<hbm>>, %arg3: memref<32768xf32, #tpu.memory_space<vmem>>, %arg4: memref<!tpu.dma_semaphore, #tpu.memory_space<semaphore_mem>>) attributes {dimension_semantics = [#tpu.dimension_semantics<core_parallel>, #tpu.dimension_semantics<subcore_parallel>], iteration_bounds = array<i64: 2, 16>, scalar_prefetch = 0 : i64, scratch_operands = 2 : i64, tpu.core_type = #tpu.core_type<sc_vector_subcore>, window_params = [{transform_indices = #map}]} {
    %mul3A = arith.constant 2 : i32
    %mul3A_0 = arith.muli %arg1, %mul3A : i32
    %add3A = arith.addi %mul3A_0, %arg0 : i32
    %mul3A_1 = arith.constant 524288 : i32
    %mul3A_2 = arith.muli %add3A, %mul3A_1 : i32
    %scan3A = arith.constant 0 : i32
    %scan3A_3 = arith.constant 0 : i32
    %scan3A_4 = arith.constant 2048 : i32
    %scan3A_5 = arith.addi %scan3A_3, %scan3A_4 : i32
    %scan3A_6 = arith.constant 1 : i32
    scf.for %scan3A_102 = %scan3A_3 to %scan3A_5 step %scan3A_6  : i32 {
      %broadcast_in_dim3A = arith.constant 0.000000e+00 : f32
      %broadcast_in_dim3A_103 = vector.broadcast %broadcast_in_dim3A : f32 to vector<16xf32>
      %mul3A_104 = arith.constant 16 : i32
      %mul3A_105 = arith.muli %scan3A_102, %mul3A_104 : i32
      %swap3A = arith.index_cast %mul3A_105 : i32 to index
      %swap3A_106 = tpu.vector_load %arg3[%swap3A] {strides = array<i32>} : memref<32768xf32, #tpu.memory_space<vmem>>, vector<16xf32>,
      %swap3A_107 = vector.shape_cast %swap3A_106 : vector<16xf32> to vector<16xf32>
      %swap3A_108 = vector.shape_cast %broadcast_in_dim3A_103 : vector<16xf32> to vector<16xf32>
      tpu.vector_store %arg3[%swap3A], %swap3A_108 {strides = array<i32>} : memref<32768xf32, #tpu.memory_space<vmem>>, vector<16xf32>,
    }
    %scan3A_7 = arith.constant 2048 : i32
    %add3A_8 = arith.constant 0 : i32
    %add3A_9 = arith.addi %mul3A_2, %add3A_8 : i32
    %add3A_10 = arith.constant 32768 : i32
    %add3A_11 = arith.addi %mul3A_2, %add3A_10 : i32
    %add3A_12 = arith.constant 65536 : i32
    %add3A_13 = arith.addi %mul3A_2, %add3A_12 : i32
    %add3A_14 = arith.constant 98304 : i32
    %add3A_15 = arith.addi %mul3A_2, %add3A_14 : i32
    %add3A_16 = arith.constant 131072 : i32
    %add3A_17 = arith.addi %mul3A_2, %add3A_16 : i32
    %add3A_18 = arith.constant 163840 : i32
    %add3A_19 = arith.addi %mul3A_2, %add3A_18 : i32
    %add3A_20 = arith.constant 196608 : i32
    %add3A_21 = arith.addi %mul3A_2, %add3A_20 : i32
    %add3A_22 = arith.constant 229376 : i32
    %add3A_23 = arith.addi %mul3A_2, %add3A_22 : i32
    %add3A_24 = arith.constant 262144 : i32
    %add3A_25 = arith.addi %mul3A_2, %add3A_24 : i32
    %add3A_26 = arith.constant 294912 : i32
    %add3A_27 = arith.addi %mul3A_2, %add3A_26 : i32
    %add3A_28 = arith.constant 327680 : i32
    %add3A_29 = arith.addi %mul3A_2, %add3A_28 : i32
    %add3A_30 = arith.constant 360448 : i32
    %add3A_31 = arith.addi %mul3A_2, %add3A_30 : i32
    %add3A_32 = arith.constant 393216 : i32
    %add3A_33 = arith.addi %mul3A_2, %add3A_32 : i32
    %add3A_34 = arith.constant 425984 : i32
    %add3A_35 = arith.addi %mul3A_2, %add3A_34 : i32
    %add3A_36 = arith.constant 458752 : i32
    %add3A_37 = arith.addi %mul3A_2, %add3A_36 : i32
    %add3A_38 = arith.constant 491520 : i32
    %add3A_39 = arith.addi %mul3A_2, %add3A_38 : i32
    %dma_start3A = tpu.memref_slice %arg2[%add3A_9] : memref<16777216xf32, #tpu.memory_space<hbm>> -> memref<32768xf32, #tpu.memory_space<hbm>>
    %dma_start3A_40 = tpu.memref_slice %arg2[%add3A_9] : memref<16777216xf32, #tpu.memory_space<hbm>> -> memref<32768xf32, #tpu.memory_space<hbm>>
    tpu.enqueue_dma source(%arg3 : memref<32768xf32, #tpu.memory_space<vmem>>) target(%dma_start3A_40 : memref<32768xf32, #tpu.memory_space<hbm>>) target_semaphore(%arg4 : memref<!tpu.dma_semaphore, #tpu.memory_space<semaphore_mem>>)
    %dma_start3A_41 = tpu.memref_slice %arg2[%add3A_11] : memref<16777216xf32, #tpu.memory_space<hbm>> -> memref<32768xf32, #tpu.memory_space<hbm>>
    %dma_start3A_42 = tpu.memref_slice %arg2[%add3A_11] : memref<16777216xf32, #tpu.memory_space<hbm>> -> memref<32768xf32, #tpu.memory_space<hbm>>
    tpu.enqueue_dma source(%arg3 : memref<32768xf32, #tpu.memory_space<vmem>>) target(%dma_start3A_42 : memref<32768xf32, #tpu.memory_space<hbm>>) target_semaphore(%arg4 : memref<!tpu.dma_semaphore, #tpu.memory_space<semaphore_mem>>)
    %dma_start3A_43 = tpu.memref_slice %arg2[%add3A_13] : memref<16777216xf32, #tpu.memory_space<hbm>> -> memref<32768xf32, #tpu.memory_space<hbm>>
    %dma_start3A_44 = tpu.memref_slice %arg2[%add3A_13] : memref<16777216xf32, #tpu.memory_space<hbm>> -> memref<32768xf32, #tpu.memory_space<hbm>>
    tpu.enqueue_dma source(%arg3 : memref<32768xf32, #tpu.memory_space<vmem>>) target(%dma_start3A_44 : memref<32768xf32, #tpu.memory_space<hbm>>) target_semaphore(%arg4 : memref<!tpu.dma_semaphore, #tpu.memory_space<semaphore_mem>>)
    %dma_start3A_45 = tpu.memref_slice %arg2[%add3A_15] : memref<16777216xf32, #tpu.memory_space<hbm>> -> memref<32768xf32, #tpu.memory_space<hbm>>
    %dma_start3A_46 = tpu.memref_slice %arg2[%add3A_15] : memref<16777216xf32, #tpu.memory_space<hbm>> -> memref<32768xf32, #tpu.memory_space<hbm>>
    tpu.enqueue_dma source(%arg3 : memref<32768xf32, #tpu.memory_space<vmem>>) target(%dma_start3A_46 : memref<32768xf32, #tpu.memory_space<hbm>>) target_semaphore(%arg4 : memref<!tpu.dma_semaphore, #tpu.memory_space<semaphore_mem>>)
    %dma_start3A_47 = tpu.memref_slice %arg2[%add3A_17] : memref<16777216xf32, #tpu.memory_space<hbm>> -> memref<32768xf32, #tpu.memory_space<hbm>>
    %dma_start3A_48 = tpu.memref_slice %arg2[%add3A_17] : memref<16777216xf32, #tpu.memory_space<hbm>> -> memref<32768xf32, #tpu.memory_space<hbm>>
    tpu.enqueue_dma source(%arg3 : memref<32768xf32, #tpu.memory_space<vmem>>) target(%dma_start3A_48 : memref<32768xf32, #tpu.memory_space<hbm>>) target_semaphore(%arg4 : memref<!tpu.dma_semaphore, #tpu.memory_space<semaphore_mem>>)
    %dma_start3A_49 = tpu.memref_slice %arg2[%add3A_19] : memref<16777216xf32, #tpu.memory_space<hbm>> -> memref<32768xf32, #tpu.memory_space<hbm>>
    %dma_start3A_50 = tpu.memref_slice %arg2[%add3A_19] : memref<16777216xf32, #tpu.memory_space<hbm>> -> memref<32768xf32, #tpu.memory_space<hbm>>
    tpu.enqueue_dma source(%arg3 : memref<32768xf32, #tpu.memory_space<vmem>>) target(%dma_start3A_50 : memref<32768xf32, #tpu.memory_space<hbm>>) target_semaphore(%arg4 : memref<!tpu.dma_semaphore, #tpu.memory_space<semaphore_mem>>)
    %dma_start3A_51 = tpu.memref_slice %arg2[%add3A_21] : memref<16777216xf32, #tpu.memory_space<hbm>> -> memref<32768xf32, #tpu.memory_space<hbm>>
    %dma_start3A_52 = tpu.memref_slice %arg2[%add3A_21] : memref<16777216xf32, #tpu.memory_space<hbm>> -> memref<32768xf32, #tpu.memory_space<hbm>>
    tpu.enqueue_dma source(%arg3 : memref<32768xf32, #tpu.memory_space<vmem>>) target(%dma_start3A_52 : memref<32768xf32, #tpu.memory_space<hbm>>) target_semaphore(%arg4 : memref<!tpu.dma_semaphore, #tpu.memory_space<semaphore_mem>>)
    %dma_start3A_53 = tpu.memref_slice %arg2[%add3A_23] : memref<16777216xf32, #tpu.memory_space<hbm>> -> memref<32768xf32, #tpu.memory_space<hbm>>
    %dma_start3A_54 = tpu.memref_slice %arg2[%add3A_23] : memref<16777216xf32, #tpu.memory_space<hbm>> -> memref<32768xf32, #tpu.memory_space<hbm>>
    tpu.enqueue_dma source(%arg3 : memref<32768xf32, #tpu.memory_space<vmem>>) target(%dma_start3A_54 : memref<32768xf32, #tpu.memory_space<hbm>>) target_semaphore(%arg4 : memref<!tpu.dma_semaphore, #tpu.memory_space<semaphore_mem>>)
    %dma_start3A_55 = tpu.memref_slice %arg2[%add3A_25] : memref<16777216xf32, #tpu.memory_space<hbm>> -> memref<32768xf32, #tpu.memory_space<hbm>>
    %dma_start3A_56 = tpu.memref_slice %arg2[%add3A_25] : memref<16777216xf32, #tpu.memory_space<hbm>> -> memref<32768xf32, #tpu.memory_space<hbm>>
    tpu.enqueue_dma source(%arg3 : memref<32768xf32, #tpu.memory_space<vmem>>) target(%dma_start3A_56 : memref<32768xf32, #tpu.memory_space<hbm>>) target_semaphore(%arg4 : memref<!tpu.dma_semaphore, #tpu.memory_space<semaphore_mem>>)
    %dma_start3A_57 = tpu.memref_slice %arg2[%add3A_27] : memref<16777216xf32, #tpu.memory_space<hbm>> -> memref<32768xf32, #tpu.memory_space<hbm>>
    %dma_start3A_58 = tpu.memref_slice %arg2[%add3A_27] : memref<16777216xf32, #tpu.memory_space<hbm>> -> memref<32768xf32, #tpu.memory_space<hbm>>
    tpu.enqueue_dma source(%arg3 : memref<32768xf32, #tpu.memory_space<vmem>>) target(%dma_start3A_58 : memref<32768xf32, #tpu.memory_space<hbm>>) target_semaphore(%arg4 : memref<!tpu.dma_semaphore, #tpu.memory_space<semaphore_mem>>)
    %dma_start3A_59 = tpu.memref_slice %arg2[%add3A_29] : memref<16777216xf32, #tpu.memory_space<hbm>> -> memref<32768xf32, #tpu.memory_space<hbm>>
    %dma_start3A_60 = tpu.memref_slice %arg2[%add3A_29] : memref<16777216xf32, #tpu.memory_space<hbm>> -> memref<32768xf32, #tpu.memory_space<hbm>>
    tpu.enqueue_dma source(%arg3 : memref<32768xf32, #tpu.memory_space<vmem>>) target(%dma_start3A_60 : memref<32768xf32, #tpu.memory_space<hbm>>) target_semaphore(%arg4 : memref<!tpu.dma_semaphore, #tpu.memory_space<semaphore_mem>>)
    %dma_start3A_61 = tpu.memref_slice %arg2[%add3A_31] : memref<16777216xf32, #tpu.memory_space<hbm>> -> memref<32768xf32, #tpu.memory_space<hbm>>
    %dma_start3A_62 = tpu.memref_slice %arg2[%add3A_31] : memref<16777216xf32, #tpu.memory_space<hbm>> -> memref<32768xf32, #tpu.memory_space<hbm>>
    tpu.enqueue_dma source(%arg3 : memref<32768xf32, #tpu.memory_space<vmem>>) target(%dma_start3A_62 : memref<32768xf32, #tpu.memory_space<hbm>>) target_semaphore(%arg4 : memref<!tpu.dma_semaphore, #tpu.memory_space<semaphore_mem>>)
    %dma_start3A_63 = tpu.memref_slice %arg2[%add3A_33] : memref<16777216xf32, #tpu.memory_space<hbm>> -> memref<32768xf32, #tpu.memory_space<hbm>>
    %dma_start3A_64 = tpu.memref_slice %arg2[%add3A_33] : memref<16777216xf32, #tpu.memory_space<hbm>> -> memref<32768xf32, #tpu.memory_space<hbm>>
    tpu.enqueue_dma source(%arg3 : memref<32768xf32, #tpu.memory_space<vmem>>) target(%dma_start3A_64 : memref<32768xf32, #tpu.memory_space<hbm>>) target_semaphore(%arg4 : memref<!tpu.dma_semaphore, #tpu.memory_space<semaphore_mem>>)
    %dma_start3A_65 = tpu.memref_slice %arg2[%add3A_35] : memref<16777216xf32, #tpu.memory_space<hbm>> -> memref<32768xf32, #tpu.memory_space<hbm>>
    %dma_start3A_66 = tpu.memref_slice %arg2[%add3A_35] : memref<16777216xf32, #tpu.memory_space<hbm>> -> memref<32768xf32, #tpu.memory_space<hbm>>
    tpu.enqueue_dma source(%arg3 : memref<32768xf32, #tpu.memory_space<vmem>>) target(%dma_start3A_66 : memref<32768xf32, #tpu.memory_space<hbm>>) target_semaphore(%arg4 : memref<!tpu.dma_semaphore, #tpu.memory_space<semaphore_mem>>)
    %dma_start3A_67 = tpu.memref_slice %arg2[%add3A_37] : memref<16777216xf32, #tpu.memory_space<hbm>> -> memref<32768xf32, #tpu.memory_space<hbm>>
    %dma_start3A_68 = tpu.memref_slice %arg2[%add3A_37] : memref<16777216xf32, #tpu.memory_space<hbm>> -> memref<32768xf32, #tpu.memory_space<hbm>>
    tpu.enqueue_dma source(%arg3 : memref<32768xf32, #tpu.memory_space<vmem>>) target(%dma_start3A_68 : memref<32768xf32, #tpu.memory_space<hbm>>) target_semaphore(%arg4 : memref<!tpu.dma_semaphore, #tpu.memory_space<semaphore_mem>>)
    %dma_start3A_69 = tpu.memref_slice %arg2[%add3A_39] : memref<16777216xf32, #tpu.memory_space<hbm>> -> memref<32768xf32, #tpu.memory_space<hbm>>
    %dma_start3A_70 = tpu.memref_slice %arg2[%add3A_39] : memref<16777216xf32, #tpu.memory_space<hbm>> -> memref<32768xf32, #tpu.memory_space<hbm>>
    tpu.enqueue_dma source(%arg3 : memref<32768xf32, #tpu.memory_space<vmem>>) target(%dma_start3A_70 : memref<32768xf32, #tpu.memory_space<hbm>>) target_semaphore(%arg4 : memref<!tpu.dma_semaphore, #tpu.memory_space<semaphore_mem>>)
    %dma_wait3A = tpu.memref_slice %arg2[%add3A_9] : memref<16777216xf32, #tpu.memory_space<hbm>> -> memref<32768xf32, #tpu.memory_space<hbm>>
    %dma_wait3A_71 = tpu.memref_slice %arg2[%add3A_9] : memref<16777216xf32, #tpu.memory_space<hbm>> -> memref<32768xf32, #tpu.memory_space<hbm>>
    tpu.wait_dma2 semaphore(%arg4 : memref<!tpu.dma_semaphore, #tpu.memory_space<semaphore_mem>>) src(%arg3 : memref<32768xf32, #tpu.memory_space<vmem>>) dst(%dma_wait3A_71 : memref<32768xf32, #tpu.memory_space<hbm>>)
    %dma_wait3A_72 = tpu.memref_slice %arg2[%add3A_11] : memref<16777216xf32, #tpu.memory_space<hbm>> -> memref<32768xf32, #tpu.memory_space<hbm>>
    %dma_wait3A_73 = tpu.memref_slice %arg2[%add3A_11] : memref<16777216xf32, #tpu.memory_space<hbm>> -> memref<32768xf32, #tpu.memory_space<hbm>>
    tpu.wait_dma2 semaphore(%arg4 : memref<!tpu.dma_semaphore, #tpu.memory_space<semaphore_mem>>) src(%arg3 : memref<32768xf32, #tpu.memory_space<vmem>>) dst(%dma_wait3A_73 : memref<32768xf32, #tpu.memory_space<hbm>>)
    %dma_wait3A_74 = tpu.memref_slice %arg2[%add3A_13] : memref<16777216xf32, #tpu.memory_space<hbm>> -> memref<32768xf32, #tpu.memory_space<hbm>>
    %dma_wait3A_75 = tpu.memref_slice %arg2[%add3A_13] : memref<16777216xf32, #tpu.memory_space<hbm>> -> memref<32768xf32, #tpu.memory_space<hbm>>
    tpu.wait_dma2 semaphore(%arg4 : memref<!tpu.dma_semaphore, #tpu.memory_space<semaphore_mem>>) src(%arg3 : memref<32768xf32, #tpu.memory_space<vmem>>) dst(%dma_wait3A_75 : memref<32768xf32, #tpu.memory_space<hbm>>)
    %dma_wait3A_76 = tpu.memref_slice %arg2[%add3A_15] : memref<16777216xf32, #tpu.memory_space<hbm>> -> memref<32768xf32, #tpu.memory_space<hbm>>
    %dma_wait3A_77 = tpu.memref_slice %arg2[%add3A_15] : memref<16777216xf32, #tpu.memory_space<hbm>> -> memref<32768xf32, #tpu.memory_space<hbm>>
    tpu.wait_dma2 semaphore(%arg4 : memref<!tpu.dma_semaphore, #tpu.memory_space<semaphore_mem>>) src(%arg3 : memref<32768xf32, #tpu.memory_space<vmem>>) dst(%dma_wait3A_77 : memref<32768xf32, #tpu.memory_space<hbm>>)
    %dma_wait3A_78 = tpu.memref_slice %arg2[%add3A_17] : memref<16777216xf32, #tpu.memory_space<hbm>> -> memref<32768xf32, #tpu.memory_space<hbm>>
    %dma_wait3A_79 = tpu.memref_slice %arg2[%add3A_17] : memref<16777216xf32, #tpu.memory_space<hbm>> -> memref<32768xf32, #tpu.memory_space<hbm>>
    tpu.wait_dma2 semaphore(%arg4 : memref<!tpu.dma_semaphore, #tpu.memory_space<semaphore_mem>>) src(%arg3 : memref<32768xf32, #tpu.memory_space<vmem>>) dst(%dma_wait3A_79 : memref<32768xf32, #tpu.memory_space<hbm>>)
    %dma_wait3A_80 = tpu.memref_slice %arg2[%add3A_19] : memref<16777216xf32, #tpu.memory_space<hbm>> -> memref<32768xf32, #tpu.memory_space<hbm>>
    %dma_wait3A_81 = tpu.memref_slice %arg2[%add3A_19] : memref<16777216xf32, #tpu.memory_space<hbm>> -> memref<32768xf32, #tpu.memory_space<hbm>>
    tpu.wait_dma2 semaphore(%arg4 : memref<!tpu.dma_semaphore, #tpu.memory_space<semaphore_mem>>) src(%arg3 : memref<32768xf32, #tpu.memory_space<vmem>>) dst(%dma_wait3A_81 : memref<32768xf32, #tpu.memory_space<hbm>>)
    %dma_wait3A_82 = tpu.memref_slice %arg2[%add3A_21] : memref<16777216xf32, #tpu.memory_space<hbm>> -> memref<32768xf32, #tpu.memory_space<hbm>>
    %dma_wait3A_83 = tpu.memref_slice %arg2[%add3A_21] : memref<16777216xf32, #tpu.memory_space<hbm>> -> memref<32768xf32, #tpu.memory_space<hbm>>
    tpu.wait_dma2 semaphore(%arg4 : memref<!tpu.dma_semaphore, #tpu.memory_space<semaphore_mem>>) src(%arg3 : memref<32768xf32, #tpu.memory_space<vmem>>) dst(%dma_wait3A_83 : memref<32768xf32, #tpu.memory_space<hbm>>)
    %dma_wait3A_84 = tpu.memref_slice %arg2[%add3A_23] : memref<16777216xf32, #tpu.memory_space<hbm>> -> memref<32768xf32, #tpu.memory_space<hbm>>
    %dma_wait3A_85 = tpu.memref_slice %arg2[%add3A_23] : memref<16777216xf32, #tpu.memory_space<hbm>> -> memref<32768xf32, #tpu.memory_space<hbm>>
    tpu.wait_dma2 semaphore(%arg4 : memref<!tpu.dma_semaphore, #tpu.memory_space<semaphore_mem>>) src(%arg3 : memref<32768xf32, #tpu.memory_space<vmem>>) dst(%dma_wait3A_85 : memref<32768xf32, #tpu.memory_space<hbm>>)
    %dma_wait3A_86 = tpu.memref_slice %arg2[%add3A_25] : memref<16777216xf32, #tpu.memory_space<hbm>> -> memref<32768xf32, #tpu.memory_space<hbm>>
    %dma_wait3A_87 = tpu.memref_slice %arg2[%add3A_25] : memref<16777216xf32, #tpu.memory_space<hbm>> -> memref<32768xf32, #tpu.memory_space<hbm>>
    tpu.wait_dma2 semaphore(%arg4 : memref<!tpu.dma_semaphore, #tpu.memory_space<semaphore_mem>>) src(%arg3 : memref<32768xf32, #tpu.memory_space<vmem>>) dst(%dma_wait3A_87 : memref<32768xf32, #tpu.memory_space<hbm>>)
    %dma_wait3A_88 = tpu.memref_slice %arg2[%add3A_27] : memref<16777216xf32, #tpu.memory_space<hbm>> -> memref<32768xf32, #tpu.memory_space<hbm>>
    %dma_wait3A_89 = tpu.memref_slice %arg2[%add3A_27] : memref<16777216xf32, #tpu.memory_space<hbm>> -> memref<32768xf32, #tpu.memory_space<hbm>>
    tpu.wait_dma2 semaphore(%arg4 : memref<!tpu.dma_semaphore, #tpu.memory_space<semaphore_mem>>) src(%arg3 : memref<32768xf32, #tpu.memory_space<vmem>>) dst(%dma_wait3A_89 : memref<32768xf32, #tpu.memory_space<hbm>>)
    %dma_wait3A_90 = tpu.memref_slice %arg2[%add3A_29] : memref<16777216xf32, #tpu.memory_space<hbm>> -> memref<32768xf32, #tpu.memory_space<hbm>>
    %dma_wait3A_91 = tpu.memref_slice %arg2[%add3A_29] : memref<16777216xf32, #tpu.memory_space<hbm>> -> memref<32768xf32, #tpu.memory_space<hbm>>
    tpu.wait_dma2 semaphore(%arg4 : memref<!tpu.dma_semaphore, #tpu.memory_space<semaphore_mem>>) src(%arg3 : memref<32768xf32, #tpu.memory_space<vmem>>) dst(%dma_wait3A_91 : memref<32768xf32, #tpu.memory_space<hbm>>)
    %dma_wait3A_92 = tpu.memref_slice %arg2[%add3A_31] : memref<16777216xf32, #tpu.memory_space<hbm>> -> memref<32768xf32, #tpu.memory_space<hbm>>
    %dma_wait3A_93 = tpu.memref_slice %arg2[%add3A_31] : memref<16777216xf32, #tpu.memory_space<hbm>> -> memref<32768xf32, #tpu.memory_space<hbm>>
    tpu.wait_dma2 semaphore(%arg4 : memref<!tpu.dma_semaphore, #tpu.memory_space<semaphore_mem>>) src(%arg3 : memref<32768xf32, #tpu.memory_space<vmem>>) dst(%dma_wait3A_93 : memref<32768xf32, #tpu.memory_space<hbm>>)
    %dma_wait3A_94 = tpu.memref_slice %arg2[%add3A_33] : memref<16777216xf32, #tpu.memory_space<hbm>> -> memref<32768xf32, #tpu.memory_space<hbm>>
    %dma_wait3A_95 = tpu.memref_slice %arg2[%add3A_33] : memref<16777216xf32, #tpu.memory_space<hbm>> -> memref<32768xf32, #tpu.memory_space<hbm>>
    tpu.wait_dma2 semaphore(%arg4 : memref<!tpu.dma_semaphore, #tpu.memory_space<semaphore_mem>>) src(%arg3 : memref<32768xf32, #tpu.memory_space<vmem>>) dst(%dma_wait3A_95 : memref<32768xf32, #tpu.memory_space<hbm>>)
    %dma_wait3A_96 = tpu.memref_slice %arg2[%add3A_35] : memref<16777216xf32, #tpu.memory_space<hbm>> -> memref<32768xf32, #tpu.memory_space<hbm>>
    %dma_wait3A_97 = tpu.memref_slice %arg2[%add3A_35] : memref<16777216xf32, #tpu.memory_space<hbm>> -> memref<32768xf32, #tpu.memory_space<hbm>>
    tpu.wait_dma2 semaphore(%arg4 : memref<!tpu.dma_semaphore, #tpu.memory_space<semaphore_mem>>) src(%arg3 : memref<32768xf32, #tpu.memory_space<vmem>>) dst(%dma_wait3A_97 : memref<32768xf32, #tpu.memory_space<hbm>>)
    %dma_wait3A_98 = tpu.memref_slice %arg2[%add3A_37] : memref<16777216xf32, #tpu.memory_space<hbm>> -> memref<32768xf32, #tpu.memory_space<hbm>>
    %dma_wait3A_99 = tpu.memref_slice %arg2[%add3A_37] : memref<16777216xf32, #tpu.memory_space<hbm>> -> memref<32768xf32, #tpu.memory_space<hbm>>
    tpu.wait_dma2 semaphore(%arg4 : memref<!tpu.dma_semaphore, #tpu.memory_space<semaphore_mem>>) src(%arg3 : memref<32768xf32, #tpu.memory_space<vmem>>) dst(%dma_wait3A_99 : memref<32768xf32, #tpu.memory_space<hbm>>)
    %dma_wait3A_100 = tpu.memref_slice %arg2[%add3A_39] : memref<16777216xf32, #tpu.memory_space<hbm>> -> memref<32768xf32, #tpu.memory_space<hbm>>
    %dma_wait3A_101 = tpu.memref_slice %arg2[%add3A_39] : memref<16777216xf32, #tpu.memory_space<hbm>> -> memref<32768xf32, #tpu.memory_space<hbm>>
    tpu.wait_dma2 semaphore(%arg4 : memref<!tpu.dma_semaphore, #tpu.memory_space<semaphore_mem>>) src(%arg3 : memref<32768xf32, #tpu.memory_space<vmem>>) dst(%dma_wait3A_101 : memref<32768xf32, #tpu.memory_space<hbm>>)
    return
  }
}

module attributes {stable_mosaic.version = 14 : i64} {
  func.func @_tc_core(%arg0: i32, %arg1: memref<1x1024x768xf32, #tpu.memory_space<vmem>>, %arg2: memref<1x64x768xf32, #tpu.memory_space<vmem>>, %arg3: memref<1x1x1024xi32, #tpu.memory_space<vmem>>) attributes {dimension_semantics = [#tpu.dimension_semantics<arbitrary>], iteration_bounds = array<i64: 16>, scalar_prefetch = 0 : i64, scratch_operands = 0 : i64, tpu.core_type = #tpu.core_type<tc>, window_params = [{transform_indices = @transform_0, window_bounds = array<i64: 1, 1024, 768>}, {transform_indices = @transform_1, window_bounds = array<i64: 1, 64, 768>}, {transform_indices = @transform_2, window_bounds = array<i64: 1, 1, 1024>}]} {
    %get3A = arith.constant 0 : index
    %get3A_0 = arith.constant 0 : index
    %get3A_1 = arith.constant 0 : index
    %get3A_2 = vector.load %arg1[%get3A, %get3A_0, %get3A_1] : memref<1x1024x768xf32, #tpu.memory_space<vmem>>, vector<1x1024x768xf32>
    %get3A_3 = vector.shape_cast %get3A_2 : vector<1x1024x768xf32> to vector<1024x768xf32>
    %get3A_4 = arith.constant 0 : index
    %get3A_5 = arith.constant 0 : index
    %get3A_6 = arith.constant 0 : index
    %get3A_7 = vector.load %arg2[%get3A_4, %get3A_5, %get3A_6] : memref<1x64x768xf32, #tpu.memory_space<vmem>>, vector<1x64x768xf32>
    %get3A_8 = vector.shape_cast %get3A_7 : vector<1x64x768xf32> to vector<64x768xf32>
    %mul3A = arith.mulf %get3A_3, %get3A_3 : vector<1024x768xf32>
    %reduce_sum3A = arith.constant dense<0.000000e+00> : vector<1024xf32>
    %reduce_sum3A_9 = vector.multi_reduction <add>, %mul3A, %reduce_sum3A [1] : vector<1024x768xf32> to vector<1024xf32>
    %broadcast_in_dim3A = vector.shape_cast %reduce_sum3A_9 : vector<1024xf32> to vector<1024x1xf32>
    %div3A = arith.constant 7.680000e+02 : f32
    %div3A_10 = vector.broadcast %div3A : f32 to vector<1024x1xf32>
    %div3A_11 = arith.divf %broadcast_in_dim3A, %div3A_10 : vector<1024x1xf32>
    %add3A = arith.constant 9.99999997E-7 : f32
    %add3A_12 = vector.broadcast %add3A : f32 to vector<1024x1xf32>
    %add3A_13 = arith.addf %div3A_11, %add3A_12 : vector<1024x1xf32>
    %rsqrt3A = math.rsqrt %add3A_13 : vector<1024x1xf32>
    %mul3A_14 = vector.broadcast %rsqrt3A : vector<1024x1xf32> to vector<1024x768xf32>
    %mul3A_15 = arith.mulf %get3A_3, %mul3A_14 : vector<1024x768xf32>
    %mul3A_16 = arith.mulf %get3A_8, %get3A_8 : vector<64x768xf32>
    %reduce_sum3A_17 = arith.constant dense<0.000000e+00> : vector<64xf32>
    %reduce_sum3A_18 = vector.multi_reduction <add>, %mul3A_16, %reduce_sum3A_17 [1] : vector<64x768xf32> to vector<64xf32>
    %broadcast_in_dim3A_19 = vector.shape_cast %reduce_sum3A_18 : vector<64xf32> to vector<64x1xf32>
    %div3A_20 = arith.constant 7.680000e+02 : f32
    %div3A_21 = vector.broadcast %div3A_20 : f32 to vector<64x1xf32>
    %div3A_22 = arith.divf %broadcast_in_dim3A_19, %div3A_21 : vector<64x1xf32>
    %add3A_23 = arith.constant 9.99999997E-7 : f32
    %add3A_24 = vector.broadcast %add3A_23 : f32 to vector<64x1xf32>
    %add3A_25 = arith.addf %div3A_22, %add3A_24 : vector<64x1xf32>
    %rsqrt3A_26 = math.rsqrt %add3A_25 : vector<64x1xf32>
    %mul3A_27 = vector.broadcast %rsqrt3A_26 : vector<64x1xf32> to vector<64x768xf32>
    %mul3A_28 = arith.mulf %get3A_8, %mul3A_27 : vector<64x768xf32>
    %dot_general3A = arith.constant dense<0.000000e+00> : vector<1024x64xf32>
    %dot_general3A_29 = tpu.matmul %mul3A_15, %mul3A_28, %dot_general3A {dimension_numbers = #tpu.dot_dimension_numbers<[1], [1], [0], [0], [0, 0, 1, 0], [], []>, transpose_lhs_hint = false} : vector<1024x768xf32>, vector<64x768xf32>, vector<1024x64xf32> -> vector<1024x64xf32>
    %mul3A_30 = arith.constant 0.0360843912 : f32
    %mul3A_31 = vector.broadcast %mul3A_30 : f32 to vector<1024x64xf32>
    %mul3A_32 = arith.mulf %dot_general3A_29, %mul3A_31 : vector<1024x64xf32>
    %reduce_max3A = arith.constant dense<0xFF800000> : vector<1024xf32>
    %reduce_max3A_33 = vector.multi_reduction <maximumf>, %mul3A_32, %reduce_max3A [1] : vector<1024x64xf32> to vector<1024xf32>
    %max3A = arith.constant 0xFF800000 : f32
    %max3A_34 = vector.broadcast %max3A : f32 to vector<1024xf32>
    %max3A_35 = arith.maximumf %max3A_34, %reduce_max3A_33 : vector<1024xf32>
    %broadcast_in_dim3A_36 = vector.shape_cast %max3A_35 : vector<1024xf32> to vector<1024x1xf32>
    %sub3A = vector.broadcast %broadcast_in_dim3A_36 : vector<1024x1xf32> to vector<1024x64xf32>
    %sub3A_37 = arith.subf %mul3A_32, %sub3A : vector<1024x64xf32>
    %exp3A = math.exp %sub3A_37 : vector<1024x64xf32>
    %reduce_sum3A_38 = arith.constant dense<0.000000e+00> : vector<1024xf32>
    %reduce_sum3A_39 = vector.multi_reduction <add>, %exp3A, %reduce_sum3A_38 [1] : vector<1024x64xf32> to vector<1024xf32>
    %broadcast_in_dim3A_40 = vector.shape_cast %reduce_sum3A_39 : vector<1024xf32> to vector<1024x1xf32>
    %div3A_41 = vector.broadcast %broadcast_in_dim3A_40 : vector<1024x1xf32> to vector<1024x64xf32>
    %div3A_42 = arith.divf %exp3A, %div3A_41 : vector<1024x64xf32>
    %dot_general3A_43 = arith.constant dense<0.000000e+00> : vector<1024x768xf32>
    %dot_general3A_44 = tpu.matmul %div3A_42, %mul3A_28, %dot_general3A_43 {dimension_numbers = #tpu.dot_dimension_numbers<[1], [0], [0], [1], [0, 0, 1, 1], [], []>, transpose_lhs_hint = false} : vector<1024x64xf32>, vector<64x768xf32>, vector<1024x768xf32> -> vector<1024x768xf32>
    %mul3A_45 = arith.mulf %dot_general3A_44, %dot_general3A_44 : vector<1024x768xf32>
    %reduce_sum3A_46 = arith.constant dense<0.000000e+00> : vector<1024xf32>
    %reduce_sum3A_47 = vector.multi_reduction <add>, %mul3A_45, %reduce_sum3A_46 [1] : vector<1024x768xf32> to vector<1024xf32>
    %broadcast_in_dim3A_48 = vector.shape_cast %reduce_sum3A_47 : vector<1024xf32> to vector<1024x1xf32>
    %div3A_49 = arith.constant 7.680000e+02 : f32
    %div3A_50 = vector.broadcast %div3A_49 : f32 to vector<1024x1xf32>
    %div3A_51 = arith.divf %broadcast_in_dim3A_48, %div3A_50 : vector<1024x1xf32>
    %add3A_52 = arith.constant 9.99999997E-7 : f32
    %add3A_53 = vector.broadcast %add3A_52 : f32 to vector<1024x1xf32>
    %add3A_54 = arith.addf %div3A_51, %add3A_53 : vector<1024x1xf32>
    %rsqrt3A_55 = math.rsqrt %add3A_54 : vector<1024x1xf32>
    %mul3A_56 = vector.broadcast %rsqrt3A_55 : vector<1024x1xf32> to vector<1024x768xf32>
    %mul3A_57 = arith.mulf %dot_general3A_44, %mul3A_56 : vector<1024x768xf32>
    %dot_general3A_58 = arith.constant dense<0.000000e+00> : vector<1024x1024xf32>
    %dot_general3A_59 = tpu.matmul %mul3A_57, %mul3A_15, %dot_general3A_58 {dimension_numbers = #tpu.dot_dimension_numbers<[1], [1], [0], [0], [0, 0, 1, 0], [], []>, transpose_lhs_hint = false} : vector<1024x768xf32>, vector<1024x768xf32>, vector<1024x1024xf32> -> vector<1024x1024xf32>
    %mul3A_60 = arith.constant 0.0360843912 : f32
    %mul3A_61 = vector.broadcast %mul3A_60 : f32 to vector<1024x1024xf32>
    %mul3A_62 = arith.mulf %dot_general3A_59, %mul3A_61 : vector<1024x1024xf32>
    %argmax3A = tpu.reduce_index %mul3A_62 {axis = 1 : i32, kind = #tpu.reduction_kind<arg_max>} : vector<1024x1024xf32> -> vector<1024xi32>
    %broadcast_in_dim3A_63 = vector.shape_cast %argmax3A : vector<1024xi32> to vector<1x1024xi32>
    %swap3A = arith.constant 0 : index
    %swap3A_64 = arith.constant 0 : index
    %swap3A_65 = arith.constant 0 : index
    %swap3A_66 = vector.load %arg3[%swap3A, %swap3A_64, %swap3A_65] : memref<1x1x1024xi32, #tpu.memory_space<vmem>>, vector<1x1x1024xi32>
    %swap3A_67 = vector.shape_cast %swap3A_66 : vector<1x1x1024xi32> to vector<1x1024xi32>
    %swap3A_68 = vector.shape_cast %broadcast_in_dim3A_63 : vector<1x1024xi32> to vector<1x1x1024xi32>
    tpu.vector_store %arg3[%swap3A, %swap3A_64, %swap3A_65], %swap3A_68 {strides = array<i32>} : memref<1x1x1024xi32, #tpu.memory_space<vmem>>, vector<1x1x1024xi32>,
    return
  }
  func.func @transform_0(%arg0: i32) -> (i32, i32, i32) {
    %c0_i32 = arith.constant 0 : i32
    %c0_i32_0 = arith.constant 0 : i32
    %c0_i32_1 = arith.constant 0 : i32
    return %arg0, %c0_i32, %c0_i32_0 : i32, i32, i32
  }
  func.func @transform_1(%arg0: i32) -> (i32, i32, i32) {
    %c0_i32 = arith.constant 0 : i32
    %c0_i32_0 = arith.constant 0 : i32
    %c0_i32_1 = arith.constant 0 : i32
    return %arg0, %c0_i32, %c0_i32_0 : i32, i32, i32
  }
  func.func @transform_2(%arg0: i32) -> (i32, i32, i32) {
    %c0_i32 = arith.constant 0 : i32
    %c0_i32_0 = arith.constant 0 : i32
    %c0_i32_1 = arith.constant 0 : i32
    return %arg0, %c0_i32, %c0_i32_0 : i32, i32, i32
  }
}

</mosaic_0001>

<sc_bundles>
// kernel: kernel.5.cloned.1.call-start
scs
__scs_entry_jumppad:
0x0: {  	(pc) =	sbr.rel $0x88, $3  }
0x1: {  	(tag) =	ssettag $0x0;
	lr =	simm.s32 $0x1  }
0x2: {  	[smem:$0x3F9F] =	sst lr;
	_ =	strace $0xD0000000  }
0x3: {  	_ = 	snop  }
0x4: {  	_ = 	snop  }
0x5: {  	_ = 	snop  }
0x6: {  	_ = 	snop  }
0x7: {  	_ = 	snop  }
__scs_overlays_trampoline_lowered:
0x8: {  	[smem:$0x3FAE] =	sst s0  }
0x9: {  	[smem:$0x3FAF] =	sst s1  }
0xa: {  	[smem:$0x3FB0] =	sst s2  }
0xb: {  	[smem:$0x3FB1] =	sst s3  }
0xc: {  	[smem:$0x3FB2] =	sst s4  }
0xd: {  	[smem:$0x3FB3] =	sst s5  }
0xe: {  	[smem:$0x3FB4] =	sst s6  }
0xf: {  	[smem:$0x3FB5] =	sst s7  }
0x10: {  	[smem:$0x3FB6] =	sst s8  }
0x11: {  	[smem:$0x3FB7] =	sst s9;
	s0 =	simm.s32 @!p0 $0x0  }
0x12: {  	s1 =	sld [smem:$0x3F9D];
	s0 =	simm.s32 @p0 $0x1  }
0x13: {  	[smem:$0x3FB8] =	sst s0;
	s0 =	simm.s32 @!p1 $0x0  }
0x14: {  	s2 =	sld [smem:$0x3F9C];
	s0 =	simm.s32 @p1 $0x1  }
0x15: {  	[smem:$0x3FB9] =	sst s0;
	s0 =	simm.s32 @!p2 $0x0  }
0x16: {  	s3 =	sld [smem:$0x3FDB];
	s0 =	simm.s32 @p2 $0x1  }
0x17: {  	s4 =	simm.s32 $0x1BF5;
	[smem:$0x3FBB] =	sst s0  }
0x18: {  	s0 =	sld [smem:$0x3F9E];
	_ =	swait.ge [sflag:s4], $0x0  }
0x19: {  	s7 =	sld [smem:$0x3F9F]  }
0x1a: {  	s8 =	sadd.s32 $0xFFFFE003, lr  }
0x1b: {  	s9 =	sadd.s32 $0xFFFFFEF7, lr;
	s5 =	simm.s32 $0xFFFFFFFF;
	p2 =	slt.u32 s8, $0xFFFFF086  }
0x1c: {  	p1 =	slt.u32 s9, $0xF7A;
	s5 =	simm.s32 @!p2 $0x0  }
0x1d: {  	s5 =	simm.s32 @p1 $0x1;
	p0 =	seq.s32 s7, s2  }
0x1e: {  	s7 =	smul.u32 @!p0 $0xF7A, s2;
	p2 =	seq.s32 @!p0 s5, $0x0  }
0x1f: {  	s9 =	smul.u32 $0xF7A, s1;
	s8 =	simm.s32 @!p0 $0x1BF5;
	p2 =	por !p2, p0  }
0x20: {  	[sflag:s8] =	ssyncset.s32 @!p0 $0xFFFFF086;
	s6 =	sadd.s32 @!p0 s3, s7;
	s7 =	simm.s32 @!p0 $0x108  }
0x21: {  	s3 =	sadd.s32 s3, s9;
	s6 =	sadd.s32 @!p0 $0x88, s6;
	s7 =	simm.s32 @p2 $0x1082  }
0x22: {  	[simem:s7], [sflag:s8] =	dma.local @!p0 [hbm:s6], $0xF7A  }
0x23: {  	s9 =	sor.u32 $0xD0000000, s2;
	s6 =	simm.s32 $0x108;
	_ =	swait.ge @!p0 [sflag:s8], $0x0  }
0x24: {  	s3 =	sadd.s32 $0x88, s3;
	s6 =	simm.s32 @!p1 $0x1082;
	[sflag:s4] =	ssyncset.s32 $0xFFFFF086  }
0x25: {  	[simem:s6], [sflag:s4] =	dma.local [hbm:s3], $0xF7A  }
0x26: {  	[smem:$0x3F9F] =	sst s1;
	(tag) =	ssettag s2;
	_ =	strace s9  }
0x27: {  	s1 =	sld [smem:$0x3FAF]  }
0x28: {  	s2 =	sld [smem:$0x3FB0]  }
0x29: {  	s4 =	sld [smem:$0x3FB2]  }
0x2a: {  	p0 =	seq.s32 s5, $0x0;
	s5 =	sld [smem:$0x3FB3]  }
0x2b: {  	s6 =	sld [smem:$0x3FB4]  }
0x2c: {  	s7 =	sld [smem:$0x3FB5]  }
0x2d: {  	s3 =	simm.s32 $0x108;
	s8 =	sld [smem:$0x3FB6]  }
0x2e: {  	s3 =	simm.s32 @!p0 $0x1082;
	s9 =	sld [smem:$0x3FB7]  }
0x2f: {  	lr =	sadd.s32 s0, s3;
	s0 =	sld [smem:$0x3FAE]  }
0x30: {  	s3 =	sld [smem:$0x3FB1]  }
0x31: {  	[smem:$0x3FBA] =	sst s10  }
0x32: {  	s10 =	sld [smem:$0x3FB8];
	_ =	sdelay $0x3  }
0x33: {  	p0 =	seq.s32 s10, $0x1;
	s10 =	sld [smem:$0x3FBA];
	_ =	sdelay $0x3  }
0x34: {  	[smem:$0x3FBA] =	sst s10  }
0x35: {  	s10 =	sld [smem:$0x3FB9];
	_ =	sdelay $0x3  }
0x36: {  	p1 =	seq.s32 s10, $0x1;
	s10 =	sld [smem:$0x3FBA];
	_ =	sdelay $0x3  }
0x37: {  	[smem:$0x3FBA] =	sst s10  }
0x38: {  	s10 =	sld [smem:$0x3FBB]  }
0x39: {  	_ = 	snop;
	(pc) =	sbr.ind lr, $3  }
0x3a: {  	_ = 	snop  }
0x3b: {  	_ = 	snop  }
0x3c: {  	p2 =	seq.s32 s10, $0x1;
	s10 =	sld [smem:$0x3FBA]  }
0x3d: {  	_ =	shalt  }
0x3e: {  	_ =	shalt  }
0x3f: {  	_ =	shalt  }
0x40: {  	_ =	shalt  }
0x41: {  	_ =	shalt  }
0x42: {  	_ =	shalt  }
0x43: {  	_ =	shalt  }
0x44: {  	_ =	shalt  }
0x45: {  	_ =	shalt  }
0x46: {  	_ =	shalt  }
0x47: {  	_ =	shalt  }
0x48: {  	_ =	shalt  }
0x49: {  	_ =	shalt  }
0x4a: {  	_ =	shalt  }
0x4b: {  	_ =	shalt  }
0x4c: {  	_ =	shalt  }
0x4d: {  	_ =	shalt  }
0x4e: {  	_ =	shalt  }
0x4f: {  	_ =	shalt  }
0x50: {  	_ =	shalt  }
0x51: {  	_ =	shalt  }
0x52: {  	_ =	shalt  }
0x53: {  	_ =	shalt  }
0x54: {  	_ =	shalt  }
0x55: {  	_ =	shalt  }
0x56: {  	_ =	shalt  }
0x57: {  	_ =	shalt  }
0x58: {  	_ =	shalt  }
0x59: {  	_ =	shalt  }
0x5a: {  	_ =	shalt  }
0x5b: {  	_ =	shalt  }
0x5c: {  	_ =	shalt  }
0x5d: {  	_ =	shalt  }
0x5e: {  	_ =	shalt  }
0x5f: {  	_ =	shalt  }
0x60: {  	_ =	shalt  }
0x61: {  	_ =	shalt  }
0x62: {  	_ =	shalt  }
0x63: {  	_ =	shalt  }
0x64: {  	_ =	shalt  }
0x65: {  	_ =	shalt  }
0x66: {  	_ =	shalt  }
0x67: {  	_ =	shalt  }
0x68: {  	_ =	shalt  }
0x69: {  	_ =	shalt  }
0x6a: {  	_ =	shalt  }
0x6b: {  	_ =	shalt  }
0x6c: {  	_ =	shalt  }
0x6d: {  	_ =	shalt  }
0x6e: {  	_ =	shalt  }
0x6f: {  	_ =	shalt  }
0x70: {  	_ =	shalt  }
0x71: {  	_ =	shalt  }
0x72: {  	_ =	shalt  }
0x73: {  	_ =	shalt  }
0x74: {  	_ =	shalt  }
0x75: {  	_ =	shalt  }
0x76: {  	_ =	shalt  }
0x77: {  	_ =	shalt  }
0x78: {  	_ =	shalt  }
0x79: {  	_ =	shalt  }
0x7a: {  	_ =	shalt  }
0x7b: {  	_ =	shalt  }
0x7c: {  	_ =	shalt  }
0x7d: {  	_ =	shalt  }
0x7e: {  	_ =	shalt  }
0x7f: {  	_ =	shalt  }
0x80: {  	_ =	shalt  }
0x81: {  	_ =	shalt  }
0x82: {  	_ =	shalt  }
0x83: {  	_ =	shalt  }
0x84: {  	_ =	shalt  }
0x85: {  	_ =	shalt  }
0x86: {  	_ =	shalt  }
0x87: {  	_ =	shalt  }
.Lfunc_end0:
.L_simem_size_0:
called_computation_lowered:
.L_overlay_start_0:
0x88: {  	s2 =	sld [smem:$0x3FD9]  }
0x89: {  	s3 =	sld [smem:$0x3FFE];
	_ =	sdelay $0x1  }
0x8a: {  	s1 =	srdreg.scid  }
0x8b: {  	s0 =	sand.u32 $0x1, s1  }
0x8c: {  	s16 =	sshll.u32 s0, $0xA;
	s2 =	sadd.s32 s3, s2  }
0x8d: {  	s2 =	sadd.s32 s2, s16  }
0x8e: {  	[smem:$0x3FC6] =	sst s2  }
0x8f: {  	_ = 	snop  }
0x90: {  	(tm) =	ssettm $0x1  }
0x91: {  	s17 =	sld [smem:$0x3FFB];
	_ =	sdelay $0x3  }
0x92: {  	_ =	strace s17  }
0x93: {  	s2 =	sld [smem:$0x3FFC];
	_ =	sdelay $0x3  }
0x94: {  	_ =	strace s2  }
0x95: {  	s2 =	sld [smem:$0x3FFD];
	_ =	sdelay $0x3  }
0x96: {  	_ =	strace s2  }
0x97: {  	_ =	strace $0x8FFFFFFF  }
0x98: {  	s18 =	sld [smem:$0x3FDB];
	_ =	sdelay $0x1  }
0x99: {  	s19 =	simm.s32 $_scs_section_size  }
0x9a: {  	s4 =	simm.s32 $_size__tile_overlayer_lowered;
	s5 =	simm.s32 $_tile_overlayer_lowered  }
0x9b: {  	s22 =	simm.s32 $0x1BFF;
	s21 =	sshll.u32 s5, $0x1;
	s2 =	sadd.s32 s19, s18  }
0x9c: {  	s6 =	simm.s32 $0x0;
	s20 =	sshll.u32 s4, $0x1;
	s4 =	sadd.s32 s21, s2  }
0x9d: {  	[timem:s6], [sflag:s22] =	dma.local [hbm:s4], s20  }
0x9e: {  	_ =	swait.ge [sflag:s22], s20  }
0x9f: {  	s3 =	ssub.s32 $0x0, s20;
	[sflag:s22] =	ssyncset.done $0x0  }
0xa0: {  	[sflag:s22] =	ssyncadd.s32 s3;
	_ =	sdelay $0x1  }
0xa1: {  	s23 =	simm.s32 $0x1B8B  }
0xa2: {  	_ =	swait.ge [sflag:s23], $0x1  }
0xa3: {  	[sflag:s23] =	ssyncset.done $0x0  }
0xa4: {  	s25 =	simm.s32 $0x1B8E;
	s24 =	sld [smem:$0x3FFE];
	[sflag:s23] =	ssyncadd.s32 $0xFFFFFFFF  }
0xa5: {  	s26 =	simm.s32 $execute0_lowered;
	[smem:$0x3FD2] =	sst s25  }
0xa6: {  	s4 =	sshll.u32 s26, $0x1;
	_ =	strace $0x80000046;
	[dreg:$0x1] =	wrdreg $0xFFFFFFFF  }
0xa7: {  	s28 =	simm.s32 $_size_execute0_lowered;
	s2 =	sadd.s32 s2, s4;
	[dreg:$0x0] =	wrdreg $0x0  }
0xa8: {  	s4 =	sshll.u32 s28, $0x1;
	[dreg:$0x2] =	wrdreg s2  }
0xa9: {  	[dreg:$0x3] =	wrdreg s4  }
0xaa: {  	[dreg:$0x4] =	wrdreg $0xC0  }
0xab: {  	_ =	task [dreg:s6], $0x5FFFF  }
0xac: {  	[dreg:$0x1] =	wrdreg $0xFFFFFFFF  }
0xad: {  	[dreg:$0x0] =	wrdreg $0x60  }
0xae: {  	[dreg:$0x2] =	wrdreg s24  }
0xaf: {  	[dreg:$0x3] =	wrdreg $0x9  }
0xb0: {  	_ =	task.clear_ibuf [dreg:s6], $0x4FFFF;
	_ =	strace $0x90000046  }
0xb1: {  	s29 =	simm.s32 $0x9;
	_ =	strace $0x80000048  }
0xb2: {  	_ =	swait.ge [sflag:s29], $0x1  }
0xb3: {  	[sflag:s29] =	ssyncadd.s32 $0xFFFFFFFF  }
0xb4: {  	_ =	strace $0x90000048  }
0xb5: {  	_ =	sfence  }
0xb6: {  	s30 =	sld [smem:$0x0];
	_ =	sdelay $0x2  }
0xb7: {  	s31 =	sshll.u32 s1, $0xD;
	s1 =	sshrl.u32 s1, $0x2  }
0xb8: {  	s3 =	sand.u32 $0x4000, s31;
	s1 =	sadd.s32 s1, s30  }
0xb9: {  	s0 =	sor.u32 s3, s0;
	s1 =	sshll.u32 s1, $0x11  }
0xba: {  	s0 =	sor.u32 s1, s0  }
0xbb: {  	s0 =	sadd.s32 $0x8F2B, s0  }
0xbc: {  	[sflag:s0] =	ssyncadd.remote.s32 $0x1  }
0xbd: {  	_ =	sfence.sel $0xFFFF  }
0xbe: {  	[dreg:$0x0] =	wrdreg $0xFFFFFFFF;
	(pc) =	sbr.abs _section_cstart, $3  }
0xbf: {  	[dreg:$0x1] =	wrdreg $0xFFFFFFFF  }
0xc0: {  	_ =	task.clear_ibuf [dreg:s6], $0x2FFFF;
	_ =	strace $0x9FFFFFFF  }
0xc1: {  	(tm) =	ssettm $0x7FFFFFFF  }
tec
execute0_lowered:
.L_overlay_start_1:
0x0: {  	(tag) =	ssettag $0x1  }
0x1: {  	s0 =	srdreg.scid  }
0x2: {  	s3 =	rddreg [dreg:$0x0];
	s1 =	stileid.u32;
	s2 =	simm.s32 $0x0  }
0x3: {  	s20 =	simm.s32 $0x1;
	s21 =	simm.s32 $0x0;
	s4 =	sand.u32 $0x1, s0  }
0x4: {  	s0 =	rddreg [dreg:$0x1];
	s5 =	sshll.u32 s1, $0x11;
	s6 =	sshll.u32 s4, $0x10  }
0x5: {  	[smem:$0x7FF] =	sst s2;
	s4 =	ssub.s32 $0x2, s4;
	s5 =	sor.u32 s6, s5  }
0x6: {  	_ =	strace $0x80000047;
	s31 =	sshrl.u32 s4, $0x1;
	s18 =	sadd.s32 s5, s3  }
0x7: {  	s19 =	ssub.s32 s4, s31;
	s3 =	sadd.s32 $0xC00, s18;
	s4 =	sadd.s32 $0x1C00, s18  }
0x8: {  	s5 =	sadd.s32 $0x2C00, s18;
	s6 =	sadd.s32 $0x3C00, s18;
	s7 =	sadd.s32 $0x4C00, s18  }
0x9: {  	s8 =	sadd.s32 $0x5C00, s18;
	s9 =	sadd.s32 $0x6C00, s18;
	s10 =	sadd.s32 $0x7C00, s18  }
0xa: {  	s11 =	sadd.s32 $0x8C00, s18;
	s12 =	sadd.s32 $0x9C00, s18;
	s13 =	sadd.s32 $0xAC00, s18  }
0xb: {  	s14 =	sadd.s32 $0xBC00, s18;
	s15 =	sadd.s32 $0xCC00, s18;
	s16 =	sadd.s32 $0xDC00, s18  }
0xc: {  	v0 =	vimm.f32 $0.0e+00;
	s17 =	sadd.s32 $0xEC00, s18;
	s18 =	sadd.s32 $0xFC00, s18;
	s19 =	smax.u32 s19, $0x1  }
.LBB2_1:
0xd: {  	s22 =	simm.s32 $0x40;
	s23 =	simm.s32 $0x0  }
.LBB2_2:
0xe: {  	p0 =	sne.s32 s22, $0x1FFC0;
	[tilespmem:s23+$0x0] =	vst v0;
	s23 =	smov.u32 s22;
	s22 =	sadd.s32 $0x40, s22  }
.Ltmp0:
0xf: {  	(pc) =	sbr.rel @p0 .LBB2_2-.Ltmp0, $2  }
0x10: {  	_ =	sdelay $0x2  }
0x11: {  	s23 =	sshra.s32 s23, $0x2  }
0x12: {  	[tilespmem:s23+$0x0] =	vst v0  }
0x13: {  	[hbm4b:s3+s2] =	stream.linear.scatter [tilespmem:s2], [sflag:$0x1], $0x8000, $0x38;
	[tilespmem:$0x8000] =	vst v63  }
0x14: {  	_ = 	snop  }
0x15: {  	[hbm4b:s4+s2] =	stream.linear.scatter [tilespmem:s2], [sflag:$0x1], $0x8000, $0x38;
	[tilespmem:$0x8000] =	vst v63  }
0x16: {  	_ = 	snop  }
0x17: {  	[hbm4b:s5+s2] =	stream.linear.scatter [tilespmem:s2], [sflag:$0x1], $0x8000, $0x38;
	[tilespmem:$0x8000] =	vst v63  }
0x18: {  	_ = 	snop  }
0x19: {  	[hbm4b:s6+s2] =	stream.linear.scatter [tilespmem:s2], [sflag:$0x1], $0x8000, $0x38;
	[tilespmem:$0x8000] =	vst v63  }
0x1a: {  	_ = 	snop  }
0x1b: {  	[hbm4b:s7+s2] =	stream.linear.scatter [tilespmem:s2], [sflag:$0x1], $0x8000, $0x38;
	[tilespmem:$0x8000] =	vst v63  }
0x1c: {  	_ = 	snop  }
0x1d: {  	[hbm4b:s8+s2] =	stream.linear.scatter [tilespmem:s2], [sflag:$0x1], $0x8000, $0x38;
	[tilespmem:$0x8000] =	vst v63  }
0x1e: {  	_ = 	snop  }
0x1f: {  	[hbm4b:s9+s2] =	stream.linear.scatter [tilespmem:s2], [sflag:$0x1], $0x8000, $0x38;
	[tilespmem:$0x8000] =	vst v63  }
0x20: {  	_ = 	snop  }
0x21: {  	[hbm4b:s10+s2] =	stream.linear.scatter [tilespmem:s2], [sflag:$0x1], $0x8000, $0x38;
	[tilespmem:$0x8000] =	vst v63  }
0x22: {  	_ = 	snop  }
0x23: {  	[hbm4b:s11+s2] =	stream.linear.scatter [tilespmem:s2], [sflag:$0x1], $0x8000, $0x38;
	[tilespmem:$0x8000] =	vst v63  }
0x24: {  	_ = 	snop  }
0x25: {  	[hbm4b:s12+s2] =	stream.linear.scatter [tilespmem:s2], [sflag:$0x1], $0x8000, $0x38;
	[tilespmem:$0x8000] =	vst v63  }
0x26: {  	_ = 	snop  }
0x27: {  	[hbm4b:s13+s2] =	stream.linear.scatter [tilespmem:s2], [sflag:$0x1], $0x8000, $0x38;
	[tilespmem:$0x8000] =	vst v63  }
0x28: {  	_ = 	snop  }
0x29: {  	[hbm4b:s14+s2] =	stream.linear.scatter [tilespmem:s2], [sflag:$0x1], $0x8000, $0x38;
	[tilespmem:$0x8000] =	vst v63  }
0x2a: {  	_ = 	snop  }
0x2b: {  	[hbm4b:s15+s2] =	stream.linear.scatter [tilespmem:s2], [sflag:$0x1], $0x8000, $0x38;
	[tilespmem:$0x8000] =	vst v63  }
0x2c: {  	_ = 	snop  }
0x2d: {  	[hbm4b:s16+s2] =	stream.linear.scatter [tilespmem:s2], [sflag:$0x1], $0x8000, $0x38;
	[tilespmem:$0x8000] =	vst v63  }
0x2e: {  	_ = 	snop  }
0x2f: {  	[hbm4b:s17+s2] =	stream.linear.scatter [tilespmem:s2], [sflag:$0x1], $0x8000, $0x38;
	[tilespmem:$0x8000] =	vst v63  }
0x30: {  	_ = 	snop  }
0x31: {  	[hbm4b:s18+s2] =	stream.linear.scatter [tilespmem:s2], [sflag:$0x1], $0x8000, $0x38;
	[tilespmem:$0x8000] =	vst v63  }
0x32: {  	_ =	swait.ge [sflag:s20], $0x8000  }
0x33: {  	[sflag:s20] =	ssyncset.done $0x0  }
0x34: {  	[sflag:s20] =	ssyncadd.s32 $0xFFFF8000  }
0x35: {  	_ =	swait.ge [sflag:s20], $0x8000  }
0x36: {  	[sflag:s20] =	ssyncset.done $0x0  }
0x37: {  	[sflag:s20] =	ssyncadd.s32 $0xFFFF8000  }
0x38: {  	_ =	swait.ge [sflag:s20], $0x8000  }
0x39: {  	[sflag:s20] =	ssyncset.done $0x0  }
0x3a: {  	[sflag:s20] =	ssyncadd.s32 $0xFFFF8000  }
0x3b: {  	_ =	swait.ge [sflag:s20], $0x8000  }
0x3c: {  	[sflag:s20] =	ssyncset.done $0x0  }
0x3d: {  	[sflag:s20] =	ssyncadd.s32 $0xFFFF8000  }
0x3e: {  	_ =	swait.ge [sflag:s20], $0x8000  }
0x3f: {  	[sflag:s20] =	ssyncset.done $0x0  }
0x40: {  	[sflag:s20] =	ssyncadd.s32 $0xFFFF8000  }
0x41: {  	_ =	swait.ge [sflag:s20], $0x8000  }
0x42: {  	[sflag:s20] =	ssyncset.done $0x0  }
0x43: {  	[sflag:s20] =	ssyncadd.s32 $0xFFFF8000  }
0x44: {  	_ =	swait.ge [sflag:s20], $0x8000  }
0x45: {  	[sflag:s20] =	ssyncset.done $0x0  }
0x46: {  	[sflag:s20] =	ssyncadd.s32 $0xFFFF8000  }
0x47: {  	_ =	swait.ge [sflag:s20], $0x8000  }
0x48: {  	[sflag:s20] =	ssyncset.done $0x0  }
0x49: {  	[sflag:s20] =	ssyncadd.s32 $0xFFFF8000  }
0x4a: {  	_ =	swait.ge [sflag:s20], $0x8000  }
0x4b: {  	[sflag:s20] =	ssyncset.done $0x0  }
0x4c: {  	[sflag:s20] =	ssyncadd.s32 $0xFFFF8000  }
0x4d: {  	_ =	swait.ge [sflag:s20], $0x8000  }
0x4e: {  	[sflag:s20] =	ssyncset.done $0x0  }
0x4f: {  	[sflag:s20] =	ssyncadd.s32 $0xFFFF8000  }
0x50: {  	_ =	swait.ge [sflag:s20], $0x8000  }
0x51: {  	[sflag:s20] =	ssyncset.done $0x0  }
0x52: {  	[sflag:s20] =	ssyncadd.s32 $0xFFFF8000  }
0x53: {  	_ =	swait.ge [sflag:s20], $0x8000  }
0x54: {  	[sflag:s20] =	ssyncset.done $0x0  }
0x55: {  	[sflag:s20] =	ssyncadd.s32 $0xFFFF8000  }
0x56: {  	_ =	swait.ge [sflag:s20], $0x8000  }
0x57: {  	[sflag:s20] =	ssyncset.done $0x0  }
0x58: {  	[sflag:s20] =	ssyncadd.s32 $0xFFFF8000  }
0x59: {  	_ =	swait.ge [sflag:s20], $0x8000  }
0x5a: {  	[sflag:s20] =	ssyncset.done $0x0  }
0x5b: {  	s21 =	sadd.s32 $0x1, s21;
	[sflag:s20] =	ssyncadd.s32 $0xFFFF8000  }
0x5c: {  	p0 =	sne.s32 s21, s19;
	_ =	swait.ge [sflag:s20], $0x8000  }
.Ltmp1:
0x5d: {  	[sflag:s20] =	ssyncset.done $0x0;
	(pc) =	sbr.rel @p0 .LBB2_1-.Ltmp1, $4  }
0x5e: {  	[sflag:s20] =	ssyncadd.s32 $0xFFFF8000  }
0x5f: {  	_ =	swait.ge [sflag:s20], $0x8000  }
0x60: {  	[sflag:s20] =	ssyncset.done $0x0  }
0x61: {  	[sflag:s20] =	ssyncadd.s32 $0xFFFF8000  }
0x62: {  	_ =	sfence.sel $0x180000  }
0x63: {  	[bflag:$0x0] =	sbarrier.arrive $0xFFFF  }
0x64: {  	p0 =	sne.s32 s1, $0x0;
	_ =	strace $0x90000047  }
0x65: {  	s0 =	sadd.s32 @!p0 $0x100000, s0;
	[bflag:$0x2] =	sbarrier.arrive $0xFFFF  }
0x66: {  	[sflag:s0] =	ssyncadd.tile.s32 @!p0 $0x1;
	_ =	shalt  }
.Lfunc_end2:
_tile_overlayer_lowered:
.L_overlay_start_2:
0x67: {  	(tag) =	ssettag $0x2  }
0x68: {  	s0 =	rddreg [dreg:$0x0];
	s2 =	stileid.u32  }
0x69: {  	s1 =	rddreg [dreg:$0x1];
	p0 =	sne.s32 s2, $0x0  }
0x6a: {  	s3 =	rddreg [dreg:$0x2];
	[bflag:$0x3] =	sbarrier.arrive $0xFFFF;
	s2 =	simm.s32 @!p0 $0x1C02  }
0x6b: {  	[timem:s3], [sflag:s2] =	dma.local @!p0 [hbm:s0], s1  }
0x6c: {  	s0 =	simm.s32 @!p0 $0x2  }
0x6d: {  	_ =	swait.ge @!p0 [sflag:s0], s1  }
0x6e: {  	s1 =	ssub.s32 @!p0 $0x0, s1;
	[sflag:s0] =	ssyncset.done @!p0 $0x0  }
0x6f: {  	[sflag:s0] =	ssyncadd.s32 @!p0 s1  }
0x70: {  	[bflag:$0x3] =	sbarrier.arrive $0xFFFF  }
0x71: {  	_ =	shalt  }

// kernel: kernel.8.cloned.1.call-start
scs
__scs_entry_jumppad:
0x0: {  	(pc) =	sbr.rel $0x88, $3  }
0x1: {  	(tag) =	ssettag $0x0;
	lr =	simm.s32 $0x1  }
0x2: {  	[smem:$0x3F9F] =	sst lr;
	_ =	strace $0xD0000000  }
0x3: {  	_ = 	snop  }
0x4: {  	_ = 	snop  }
0x5: {  	_ = 	snop  }
0x6: {  	_ = 	snop  }
0x7: {  	_ = 	snop  }
__scs_overlays_trampoline_lowered:
0x8: {  	[smem:$0x3FAE] =	sst s0  }
0x9: {  	[smem:$0x3FAF] =	sst s1  }
0xa: {  	[smem:$0x3FB0] =	sst s2  }
0xb: {  	[smem:$0x3FB1] =	sst s3  }
0xc: {  	[smem:$0x3FB2] =	sst s4  }
0xd: {  	[smem:$0x3FB3] =	sst s5  }
0xe: {  	[smem:$0x3FB4] =	sst s6  }
0xf: {  	[smem:$0x3FB5] =	sst s7  }
0x10: {  	[smem:$0x3FB6] =	sst s8  }
0x11: {  	[smem:$0x3FB7] =	sst s9;
	s0 =	simm.s32 @!p0 $0x0  }
0x12: {  	s1 =	sld [smem:$0x3F9D];
	s0 =	simm.s32 @p0 $0x1  }
0x13: {  	[smem:$0x3FB8] =	sst s0;
	s0 =	simm.s32 @!p1 $0x0  }
0x14: {  	s2 =	sld [smem:$0x3F9C];
	s0 =	simm.s32 @p1 $0x1  }
0x15: {  	[smem:$0x3FB9] =	sst s0;
	s0 =	simm.s32 @!p2 $0x0  }
0x16: {  	s3 =	sld [smem:$0x3FDB];
	s0 =	simm.s32 @p2 $0x1  }
0x17: {  	s4 =	simm.s32 $0x1BF5;
	[smem:$0x3FBB] =	sst s0  }
0x18: {  	s0 =	sld [smem:$0x3F9E];
	_ =	swait.ge [sflag:s4], $0x0  }
0x19: {  	s7 =	sld [smem:$0x3F9F]  }
0x1a: {  	s8 =	sadd.s32 $0xFFFFE003, lr  }
0x1b: {  	s9 =	sadd.s32 $0xFFFFFEF7, lr;
	s5 =	simm.s32 $0xFFFFFFFF;
	p2 =	slt.u32 s8, $0xFFFFF086  }
0x1c: {  	p1 =	slt.u32 s9, $0xF7A;
	s5 =	simm.s32 @!p2 $0x0  }
0x1d: {  	s5 =	simm.s32 @p1 $0x1;
	p0 =	seq.s32 s7, s2  }
0x1e: {  	s7 =	smul.u32 @!p0 $0xF7A, s2;
	p2 =	seq.s32 @!p0 s5, $0x0  }
0x1f: {  	s9 =	smul.u32 $0xF7A, s1;
	s8 =	simm.s32 @!p0 $0x1BF5;
	p2 =	por !p2, p0  }
0x20: {  	[sflag:s8] =	ssyncset.s32 @!p0 $0xFFFFF086;
	s6 =	sadd.s32 @!p0 s3, s7;
	s7 =	simm.s32 @!p0 $0x108  }
0x21: {  	s3 =	sadd.s32 s3, s9;
	s6 =	sadd.s32 @!p0 $0x88, s6;
	s7 =	simm.s32 @p2 $0x1082  }
0x22: {  	[simem:s7], [sflag:s8] =	dma.local @!p0 [hbm:s6], $0xF7A  }
0x23: {  	s9 =	sor.u32 $0xD0000000, s2;
	s6 =	simm.s32 $0x108;
	_ =	swait.ge @!p0 [sflag:s8], $0x0  }
0x24: {  	s3 =	sadd.s32 $0x88, s3;
	s6 =	simm.s32 @!p1 $0x1082;
	[sflag:s4] =	ssyncset.s32 $0xFFFFF086  }
0x25: {  	[simem:s6], [sflag:s4] =	dma.local [hbm:s3], $0xF7A  }
0x26: {  	[smem:$0x3F9F] =	sst s1;
	(tag) =	ssettag s2;
	_ =	strace s9  }
0x27: {  	s1 =	sld [smem:$0x3FAF]  }
0x28: {  	s2 =	sld [smem:$0x3FB0]  }
0x29: {  	s4 =	sld [smem:$0x3FB2]  }
0x2a: {  	p0 =	seq.s32 s5, $0x0;
	s5 =	sld [smem:$0x3FB3]  }
0x2b: {  	s6 =	sld [smem:$0x3FB4]  }
0x2c: {  	s7 =	sld [smem:$0x3FB5]  }
0x2d: {  	s3 =	simm.s32 $0x108;
	s8 =	sld [smem:$0x3FB6]  }
0x2e: {  	s3 =	simm.s32 @!p0 $0x1082;
	s9 =	sld [smem:$0x3FB7]  }
0x2f: {  	lr =	sadd.s32 s0, s3;
	s0 =	sld [smem:$0x3FAE]  }
0x30: {  	s3 =	sld [smem:$0x3FB1]  }
0x31: {  	[smem:$0x3FBA] =	sst s10  }
0x32: {  	s10 =	sld [smem:$0x3FB8];
	_ =	sdelay $0x3  }
0x33: {  	p0 =	seq.s32 s10, $0x1;
	s10 =	sld [smem:$0x3FBA];
	_ =	sdelay $0x3  }
0x34: {  	[smem:$0x3FBA] =	sst s10  }
0x35: {  	s10 =	sld [smem:$0x3FB9];
	_ =	sdelay $0x3  }
0x36: {  	p1 =	seq.s32 s10, $0x1;
	s10 =	sld [smem:$0x3FBA];
	_ =	sdelay $0x3  }
0x37: {  	[smem:$0x3FBA] =	sst s10  }
0x38: {  	s10 =	sld [smem:$0x3FBB]  }
0x39: {  	_ = 	snop;
	(pc) =	sbr.ind lr, $3  }
0x3a: {  	_ = 	snop  }
0x3b: {  	_ = 	snop  }
0x3c: {  	p2 =	seq.s32 s10, $0x1;
	s10 =	sld [smem:$0x3FBA]  }
0x3d: {  	_ =	shalt  }
0x3e: {  	_ =	shalt  }
0x3f: {  	_ =	shalt  }
0x40: {  	_ =	shalt  }
0x41: {  	_ =	shalt  }
0x42: {  	_ =	shalt  }
0x43: {  	_ =	shalt  }
0x44: {  	_ =	shalt  }
0x45: {  	_ =	shalt  }
0x46: {  	_ =	shalt  }
0x47: {  	_ =	shalt  }
0x48: {  	_ =	shalt  }
0x49: {  	_ =	shalt  }
0x4a: {  	_ =	shalt  }
0x4b: {  	_ =	shalt  }
0x4c: {  	_ =	shalt  }
0x4d: {  	_ =	shalt  }
0x4e: {  	_ =	shalt  }
0x4f: {  	_ =	shalt  }
0x50: {  	_ =	shalt  }
0x51: {  	_ =	shalt  }
0x52: {  	_ =	shalt  }
0x53: {  	_ =	shalt  }
0x54: {  	_ =	shalt  }
0x55: {  	_ =	shalt  }
0x56: {  	_ =	shalt  }
0x57: {  	_ =	shalt  }
0x58: {  	_ =	shalt  }
0x59: {  	_ =	shalt  }
0x5a: {  	_ =	shalt  }
0x5b: {  	_ =	shalt  }
0x5c: {  	_ =	shalt  }
0x5d: {  	_ =	shalt  }
0x5e: {  	_ =	shalt  }
0x5f: {  	_ =	shalt  }
0x60: {  	_ =	shalt  }
0x61: {  	_ =	shalt  }
0x62: {  	_ =	shalt  }
0x63: {  	_ =	shalt  }
0x64: {  	_ =	shalt  }
0x65: {  	_ =	shalt  }
0x66: {  	_ =	shalt  }
0x67: {  	_ =	shalt  }
0x68: {  	_ =	shalt  }
0x69: {  	_ =	shalt  }
0x6a: {  	_ =	shalt  }
0x6b: {  	_ =	shalt  }
0x6c: {  	_ =	shalt  }
0x6d: {  	_ =	shalt  }
0x6e: {  	_ =	shalt  }
0x6f: {  	_ =	shalt  }
0x70: {  	_ =	shalt  }
0x71: {  	_ =	shalt  }
0x72: {  	_ =	shalt  }
0x73: {  	_ =	shalt  }
0x74: {  	_ =	shalt  }
0x75: {  	_ =	shalt  }
0x76: {  	_ =	shalt  }
0x77: {  	_ =	shalt  }
0x78: {  	_ =	shalt  }
0x79: {  	_ =	shalt  }
0x7a: {  	_ =	shalt  }
0x7b: {  	_ =	shalt  }
0x7c: {  	_ =	shalt  }
0x7d: {  	_ =	shalt  }
0x7e: {  	_ =	shalt  }
0x7f: {  	_ =	shalt  }
0x80: {  	_ =	shalt  }
0x81: {  	_ =	shalt  }
0x82: {  	_ =	shalt  }
0x83: {  	_ =	shalt  }
0x84: {  	_ =	shalt  }
0x85: {  	_ =	shalt  }
0x86: {  	_ =	shalt  }
0x87: {  	_ =	shalt  }
.Lfunc_end0:
.L_simem_size_0:
called_computation.1_lowered:
.L_overlay_start_0:
0x88: {  	s2 =	sld [smem:$0x3FD9]  }
0x89: {  	s3 =	sld [smem:$0x3FFE];
	_ =	sdelay $0x1  }
0x8a: {  	s1 =	srdreg.scid  }
0x8b: {  	s0 =	sand.u32 $0x1, s1  }
0x8c: {  	s17 =	sshll.u32 s0, $0xA;
	s2 =	sadd.s32 s3, s2  }
0x8d: {  	s2 =	sadd.s32 s2, s17  }
0x8e: {  	[smem:$0x3FC6] =	sst s2  }
0x8f: {  	_ = 	snop  }
0x90: {  	s2 =	sld [smem:$0x3FD0];
	(tm) =	ssettm $0x1  }
0x91: {  	s18 =	sld [smem:$0x3FFB];
	_ =	sdelay $0x3  }
0x92: {  	_ =	strace s18  }
0x93: {  	s3 =	sld [smem:$0x3FFC];
	_ =	sdelay $0x3  }
0x94: {  	_ =	strace s3  }
0x95: {  	s3 =	sld [smem:$0x3FFD];
	_ =	sdelay $0x3  }
0x96: {  	_ =	strace s3  }
0x97: {  	_ =	strace $0x8FFFFFFF  }
0x98: {  	s19 =	sld [smem:$0x3FDB];
	_ =	sdelay $0x1  }
0x99: {  	s4 =	simm.s32 $_scs_section_size  }
0x9a: {  	s5 =	simm.s32 $_size__tile_overlayer_lowered;
	s6 =	simm.s32 $_tile_overlayer_lowered  }
0x9b: {  	s22 =	simm.s32 $0x1BFF;
	s21 =	sshll.u32 s6, $0x1;
	s3 =	sadd.s32 s4, s19  }
0x9c: {  	s7 =	simm.s32 $0x0;
	s20 =	sshll.u32 s5, $0x1;
	s5 =	sadd.s32 s21, s3  }
0x9d: {  	[timem:s7], [sflag:s22] =	dma.local [hbm:s5], s20  }
0x9e: {  	_ =	swait.ge [sflag:s22], s20  }
0x9f: {  	s4 =	ssub.s32 $0x0, s20;
	[sflag:s22] =	ssyncset.done $0x0  }
0xa0: {  	[sflag:s22] =	ssyncadd.s32 s4;
	_ =	sdelay $0x1  }
0xa1: {  	s23 =	simm.s32 $0x1B8B  }
0xa2: {  	_ =	swait.ge [sflag:s23], $0x1  }
0xa3: {  	[sflag:s23] =	ssyncset.done $0x0  }
0xa4: {  	s25 =	simm.s32 $0x1B8E;
	s24 =	sld [smem:$0x3FFE];
	[sflag:s23] =	ssyncadd.s32 $0xFFFFFFFF  }
0xa5: {  	s26 =	simm.s32 $execute0_lowered;
	[smem:$0x3FD2] =	sst s25  }
0xa6: {  	s5 =	sshll.u32 s26, $0x1;
	_ =	strace $0x80000049;
	[dreg:$0x1] =	wrdreg $0xFFFFFFFF  }
0xa7: {  	s28 =	simm.s32 $_size_execute0_lowered;
	s3 =	sadd.s32 s3, s5;
	[dreg:$0x0] =	wrdreg $0x0  }
0xa8: {  	s5 =	sshll.u32 s28, $0x1;
	[dreg:$0x2] =	wrdreg s3  }
0xa9: {  	[dreg:$0x3] =	wrdreg s5  }
0xaa: {  	[dreg:$0x4] =	wrdreg $0xC0  }
0xab: {  	_ =	task [dreg:s7], $0x5FFFF  }
0xac: {  	[dreg:$0x1] =	wrdreg $0xFFFFFFFF  }
0xad: {  	[dreg:$0x0] =	wrdreg $0x60  }
0xae: {  	[dreg:$0x2] =	wrdreg s2  }
0xaf: {  	[dreg:$0x3] =	wrdreg s24  }
0xb0: {  	[dreg:$0x4] =	wrdreg $0x9  }
0xb1: {  	_ =	task.clear_ibuf [dreg:s7], $0x5FFFF;
	_ =	strace $0x90000049  }
0xb2: {  	s29 =	simm.s32 $0x9;
	_ =	strace $0x8000004B  }
0xb3: {  	_ =	swait.ge [sflag:s29], $0x1  }
0xb4: {  	[sflag:s29] =	ssyncadd.s32 $0xFFFFFFFF  }
0xb5: {  	_ =	strace $0x9000004B  }
0xb6: {  	_ =	sfence  }
0xb7: {  	s30 =	sld [smem:$0x0];
	_ =	sdelay $0x2  }
0xb8: {  	s31 =	sshll.u32 s1, $0xD;
	s1 =	sshrl.u32 s1, $0x2  }
0xb9: {  	s3 =	sand.u32 $0x4000, s31;
	s1 =	sadd.s32 s1, s30  }
0xba: {  	s0 =	sor.u32 s3, s0;
	s1 =	sshll.u32 s1, $0x11  }
0xbb: {  	s0 =	sor.u32 s1, s0  }
0xbc: {  	s0 =	sadd.s32 $0x8F2B, s0  }
0xbd: {  	[sflag:s0] =	ssyncadd.remote.s32 $0x1  }
0xbe: {  	_ =	sfence.sel $0xFFFF  }
0xbf: {  	[dreg:$0x0] =	wrdreg $0xFFFFFFFF;
	(pc) =	sbr.abs _section_cstart, $3  }
0xc0: {  	[dreg:$0x1] =	wrdreg $0xFFFFFFFF  }
0xc1: {  	_ =	task.clear_ibuf [dreg:s7], $0x2FFFF;
	_ =	strace $0x9FFFFFFF  }
0xc2: {  	(tm) =	ssettm $0x7FFFFFFF  }
0xc3: {  	_ =	shalt  }
tec
execute0_lowered:
.L_overlay_start_1:
0x0: {  	(tag) =	ssettag $0x1  }
0x1: {  	s1 =	srdreg.scid  }
0x2: {  	s3 =	rddreg [dreg:$0x0];
	s0 =	stileid.u32;
	s10 =	sand.u32 $0x1, s1  }
0x3: {  	s5 =	rddreg [dreg:$0x1];
	s4 =	sshll.u32 s0, $0xA;
	s6 =	sshll.u32 s10, $0x9  }
0x4: {  	s2 =	simm.s32 $0x0;
	s1 =	rddreg [dreg:$0x2];
	s11 =	sor.u32 s6, s4  }
0x5: {  	[smem:$0x7FF] =	sst s2;
	s4 =	sshrl.u32 s11, $0x3  }
0x6: {  	_ =	strace $0x8000004A;
	s3 =	sadd.s32 s3, s4;
	s4 =	simm.s32 $0x2  }
0x7: {  	[tilespmem:s2], [sflag:$0x2] =	stream.linear.gather [hbm4b:s3+s2], $0x200, $0x38;
	[tilespmem:$0x300] =	vst v63  }
0x8: {  	_ =	swait.ge [sflag:s4], $0x200  }
0x9: {  	[sflag:s4] =	ssyncset.done $0x0  }
0xa: {  	v0 =	vimm.f32 $1.000000000e+00;
	[sflag:s4] =	ssyncadd.s32 $0xFFFFFE00  }
0xb: {  	[tilespmem:$0x280] =	vst v0  }
0xc: {  	v3 =	vld [tilespmem:$0x70];
	[tilespmem:$0x290] =	vst v0  }
0xd: {  	v1 =	vlaneseq.u32;
	s6 =	sor.u32 $0x70, s11;
	v4 =	vld [tilespmem:$0x30];
	[tilespmem:$0x2A0] =	vst v0  }
0xe: {  	v29 =	vmul.u32 $0x400, v1;
	s7 =	sor.u32 $0x30, s11;
	v5 =	vmov s11;
	v1 =	vmov s6;
	[tilespmem:$0x2B0] =	vst v0  }
0xf: {  	s25 =	sor.u32 $0x60, s11;
	v2 =	vmov s7;
	v5 =	vshll.u32 v5, $0xA;
	v1 =	vshll.u32 v1, $0xA;
	[tilespmem:$0x2C0] =	vst v0;
	v6 =	vld [tilespmem:$0x60]  }
0x10: {  	s28 =	sor.u32 $0x40, s11;
	v8 =	vmov s25;
	v2 =	vshll.u32 v2, $0xA;
	v1 =	vor.u32 v29, v1;
	[tilespmem:$0x2D0] =	vst v0;
	v7 =	vld [tilespmem:$0x0]  }
0x11: {  	s29 =	sor.u32 $0x20, s11;
	v11 =	vmov s28;
	v2 =	vor.u32 v29, v2;
	v9 =	vld [tilespmem:$0x40];
	[tilespmem:$0x2E0] =	vst v0;
	v3 =	vadd.s32 v1, v3  }
0x12: {  	s26 =	sor.u32 $0x10, s11;
	v14 =	vmov s29;
	v8 =	vshll.u32 v8, $0xA;
	v10 =	vld [tilespmem:$0x10];
	v4 =	vadd.s32 v2, v4;
	[tilespmem:$0x270] =	vst v3  }
0x13: {  	v12 =	vld [tilespmem:$0x20];
	v3 =	vor.u32 v29, v5;
	v5 =	vmov s26;
	[tilespmem:$0x230] =	vst v4;
	v4 =	vor.u32 v29, v8  }
0x14: {  	[tilespmem:$0x2F0] =	vst v0;
	v8 =	vshll.u32 v11, $0xA;
	v11 =	vld [tilespmem:$0x50];
	v5 =	vshll.u32 v5, $0xA;
	v13 =	vadd.s32 v4, v6  }
0x15: {  	s30 =	sor.u32 $0x50, s11;
	v6 =	vor.u32 v29, v8;
	v7 =	vadd.s32 v3, v7;
	v8 =	vshll.u32 v14, $0xA;
	[tilespmem:$0x260] =	vst v13  }
0x16: {  	s5 =	sadd.s32 $0xC00, s5;
	s8 =	sor.u32 $0x90, s11;
	s9 =	sor.u32 $0xA0, s11;
	v5 =	vor.u32 v29, v5;
	v13 =	vmov s30;
	[tilespmem:$0x200] =	vst v7;
	v9 =	vadd.s32 v6, v9  }
0x17: {  	s14 =	sor.u32 $0xD0, s11;
	s15 =	sor.u32 $0xE0, s11;
	s17 =	sor.u32 $0x100, s11;
	v7 =	vor.u32 v29, v8;
	v8 =	vshll.u32 v13, $0xA;
	v10 =	vadd.s32 v5, v10;
	[tilespmem:$0x240] =	vst v9  }
0x18: {  	s18 =	sor.u32 $0x110, s11;
	s19 =	sor.u32 $0x120, s11;
	s20 =	sor.u32 $0x150, s11;
	v9 =	vadd.s32 v7, v12;
	v8 =	vor.u32 v29, v8;
	[tilespmem:$0x210] =	vst v10  }
0x19: {  	s21 =	sor.u32 $0x160, s11;
	s22 =	sor.u32 $0x170, s11;
	s6 =	simm.s32 $0x80;
	[tilespmem:$0x220] =	vst v9;
	v10 =	vadd.s32 v8, v11  }
0x1a: {  	s7 =	simm.s32 $0x1;
	v15 =	vmov s14;
	v12 =	vmov s9;
	s9 =	simm.s32 $0x280;
	v11 =	vmov s8;
	s8 =	simm.s32 $0x200;
	[tilespmem:$0x250] =	vst v10  }
0x1b: {  	v16 =	vmov s15;
	v19 =	vmov s17;
	[hbm4b:s5+s6] =	stream.indirect.scatter [tilespmem:s9], [sflag:$0x1], $0x1, s8, s6, $0xb8;
	[tilespmem:$0x300] =	vst v63  }
0x1c: {  	s23 =	sor.u32 $0x180, s11;
	s24 =	sor.u32 $0x190, s11;
	v20 =	vmov s18;
	v21 =	vmov s19;
	v27 =	vmov s20;
	_ =	swait.ge [sflag:s7], $0x80  }
0x1d: {  	s15 =	sor.u32 $0x130, s11;
	v28 =	vmov s21;
	v30 =	vmov s22;
	v31 =	vmov s23;
	s25 =	sor.u32 $0x1A0, s11;
	[sflag:s7] =	ssyncset.done $0x0  }
0x1e: {  	v32 =	vmov s24;
	s28 =	sor.u32 $0x1C0, s11;
	s29 =	sor.u32 $0x1D0, s11;
	v23 =	vmov s15;
	v33 =	vmov s25;
	[sflag:s7] =	ssyncadd.s32 $0xFFFFFF80  }
0x1f: {  	s13 =	sor.u32 $0xC0, s11;
	v35 =	vmov s28;
	v36 =	vmov s29;
	v15 =	vshll.u32 v15, $0xA;
	v17 =	vld [tilespmem:$0xF0]  }
0x20: {  	s16 =	sor.u32 $0xF0, s11;
	v16 =	vshll.u32 v16, $0xA;
	v20 =	vshll.u32 v20, $0xA;
	v14 =	vmov s13;
	v18 =	vld [tilespmem:$0x90]  }
0x21: {  	s12 =	sor.u32 $0xB0, s11;
	v61 =	vshll.u32 v36, $0xA;
	v14 =	vshll.u32 v14, $0xA;
	v10 =	vmov s16;
	v22 =	vld [tilespmem:$0xA0]  }
0x22: {  	s31 =	sor.u32 $0x80, s11;
	v13 =	vmov s12;
	v14 =	vor.u32 v29, v14;
	v10 =	vshll.u32 v10, $0xA;
	v24 =	vld [tilespmem:$0xB0]  }
0x23: {  	v9 =	vmov s31;
	v11 =	vshll.u32 v11, $0xA;
	v10 =	vor.u32 v29, v10;
	v26 =	vld [tilespmem:$0x80]  }
0x24: {  	v12 =	vshll.u32 v12, $0xA;
	v11 =	vor.u32 v29, v11;
	v40 =	vld [tilespmem:$0xC0];
	v17 =	vadd.s32 v10, v17  }
0x25: {  	v13 =	vshll.u32 v13, $0xA;
	v12 =	vor.u32 v29, v12;
	v38 =	vld [tilespmem:$0xD0];
	v18 =	vadd.s32 v11, v18;
	[tilespmem:$0x270] =	vst v17  }
0x26: {  	v9 =	vshll.u32 v9, $0xA;
	v13 =	vor.u32 v29, v13;
	v39 =	vld [tilespmem:$0xE0];
	v17 =	vadd.s32 v12, v22;
	[tilespmem:$0x210] =	vst v18  }
0x27: {  	v9 =	vor.u32 v29, v9;
	v22 =	vadd.s32 v13, v24;
	v18 =	vor.u32 v29, v16;
	[tilespmem:$0x220] =	vst v17  }
0x28: {  	v16 =	vshll.u32 v19, $0xA;
	v17 =	vor.u32 v29, v15;
	v15 =	vadd.s32 v9, v26;
	[tilespmem:$0x230] =	vst v22  }
0x29: {  	s26 =	sor.u32 $0x1B0, s11;
	s30 =	sor.u32 $0x1E0, s11;
	v19 =	vor.u32 v29, v16;
	v16 =	vshll.u32 v21, $0xA;
	v21 =	vadd.s32 v14, v40;
	[tilespmem:$0x200] =	vst v15  }
0x2a: {  	s10 =	ssub.s32 $0x2, s10;
	v34 =	vmov s26;
	v37 =	vmov s30;
	v15 =	vadd.s32 v17, v38;
	[tilespmem:$0x240] =	vst v21  }
0x2b: {  	s31 =	sshrl.u32 s10, $0x1;
	s16 =	sor.u32 $0x140, s11;
	v22 =	vor.u32 v29, v20;
	v20 =	vshll.u32 v23, $0xA;
	[tilespmem:$0x250] =	vst v15;
	v15 =	vadd.s32 v18, v39  }
0x2c: {  	v62 =	vshll.u32 v37, $0xA;
	s10 =	ssub.s32 s10, s31;
	v25 =	vmov s16;
	v24 =	vor.u32 v29, v20;
	[tilespmem:$0x260] =	vst v15  }
0x2d: {  	v20 =	vshll.u32 v28, $0xA;
	v21 =	vshll.u32 v32, $0xA;
	v32 =	vor.u32 v29, v62;
	[hbm4b:s5+s6] =	stream.indirect.scatter [tilespmem:s9], [sflag:$0x1], $0x1, s8, s6, $0xb8;
	[tilespmem:$0x300] =	vst v63  }
0x2e: {  	s10 =	smax.u32 s10, $0x1;
	v21 =	vor.u32 v29, v21;
	v15 =	vor.u32 v29, v16;
	v16 =	vshll.u32 v25, $0xA;
	_ =	swait.ge [sflag:s7], $0x80  }
0x2f: {  	p0 =	sne.s32 s10, $0x1;
	v25 =	vshll.u32 v35, $0xA;
	v26 =	vor.u32 v29, v16;
	v16 =	vshll.u32 v27, $0xA;
	[sflag:s7] =	ssyncset.done $0x0  }
.Ltmp0:
0x30: {  	v27 =	vor.u32 v29, v20;
	v20 =	vshll.u32 v31, $0xA;
	v28 =	vor.u32 v29, v16;
	[sflag:s7] =	ssyncadd.s32 $0xFFFFFF80;
	(pc) =	sbr.rel @!p0 .LBB2_2-.Ltmp0, $4  }
0x31: {  	s11 =	sor.u32 $0x1F0, s11;
	v16 =	vshll.u32 v30, $0xA;
	v23 =	vor.u32 v29, v20;
	v20 =	vshll.u32 v34, $0xA;
	v34 =	vld [tilespmem:$0x110]  }
0x32: {  	v25 =	vor.u32 v29, v25;
	v30 =	vmov s11;
	v31 =	vor.u32 v29, v16;
	v35 =	vld [tilespmem:$0x100]  }
0x33: {  	v16 =	vshll.u32 v33, $0xA;
	v20 =	vor.u32 v29, v20;
	v63 =	vshll.u32 v30, $0xA;
	v33 =	vld [tilespmem:$0x120]  }
0x34: {  	s10 =	sadd.s32 $0xFFFFFFFF, s10;
	v30 =	vor.u32 v29, v61;
	v16 =	vor.u32 v29, v16;
	v29 =	vor.u32 v29, v63;
	v36 =	vld [tilespmem:$0x130]  }
.LBB2_1:
0x35: {  	p0 =	sne.s32 s10, $0x1;
	s10 =	sadd.s32 $0xFFFFFFFF, s10;
	v37 =	vld [tilespmem:$0x140]  }
0x36: {  	v38 =	vld [tilespmem:$0x150]  }
0x37: {  	v34 =	vadd.s32 v22, v34;
	v35 =	vadd.s32 v19, v35;
	v39 =	vld [tilespmem:$0x160]  }
0x38: {  	[tilespmem:$0x210] =	vst v34;
	v33 =	vadd.s32 v15, v33;
	v34 =	vld [tilespmem:$0x170]  }
0x39: {  	[tilespmem:$0x200] =	vst v35;
	v35 =	vadd.s32 v24, v36  }
0x3a: {  	[tilespmem:$0x230] =	vst v35;
	v35 =	vadd.s32 v26, v37  }
0x3b: {  	[tilespmem:$0x240] =	vst v35;
	v35 =	vadd.s32 v28, v38  }
0x3c: {  	[tilespmem:$0x250] =	vst v35;
	v35 =	vadd.s32 v27, v39  }
0x3d: {  	[tilespmem:$0x260] =	vst v35;
	v34 =	vadd.s32 v31, v34  }
0x3e: {  	[tilespmem:$0x270] =	vst v34;
	_ =	sdelay $0x3  }
0x3f: {  	[tilespmem:$0x220] =	vst v33  }
0x40: {  	[hbm4b:s5+s6] =	stream.indirect.scatter [tilespmem:s9], [sflag:$0x1], $0x1, s8, s6, $0xb8;
	[tilespmem:$0x300] =	vst v63  }
0x41: {  	_ =	swait.ge [sflag:s7], $0x80  }
0x42: {  	[sflag:s7] =	ssyncset.done $0x0  }
0x43: {  	[sflag:s7] =	ssyncadd.s32 $0xFFFFFF80  }
0x44: {  	v33 =	vld [tilespmem:$0x180]  }
0x45: {  	v34 =	vld [tilespmem:$0x190]  }
0x46: {  	v35 =	vld [tilespmem:$0x1E0]  }
0x47: {  	v36 =	vld [tilespmem:$0x1C0]  }
0x48: {  	v37 =	vld [tilespmem:$0x1D0]  }
0x49: {  	v33 =	vadd.s32 v23, v33;
	v38 =	vld [tilespmem:$0x1B0]  }
0x4a: {  	[tilespmem:$0x200] =	vst v33;
	v33 =	vadd.s32 v21, v34;
	v34 =	vld [tilespmem:$0x1F0]  }
0x4b: {  	[tilespmem:$0x210] =	vst v33;
	v33 =	vld [tilespmem:$0x1A0];
	v35 =	vadd.s32 v32, v35  }
0x4c: {  	v36 =	vadd.s32 v25, v36;
	[tilespmem:$0x260] =	vst v35  }
0x4d: {  	[tilespmem:$0x240] =	vst v36;
	v35 =	vadd.s32 v30, v37  }
0x4e: {  	v36 =	vadd.s32 v20, v38;
	[tilespmem:$0x250] =	vst v35  }
0x4f: {  	[tilespmem:$0x230] =	vst v36;
	v34 =	vadd.s32 v29, v34  }
0x50: {  	v33 =	vadd.s32 v16, v33;
	[tilespmem:$0x270] =	vst v34  }
0x51: {  	[tilespmem:$0x220] =	vst v33  }
0x52: {  	[hbm4b:s5+s6] =	stream.indirect.scatter [tilespmem:s9], [sflag:$0x1], $0x1, s8, s6, $0xb8;
	[tilespmem:$0x300] =	vst v63  }
0x53: {  	_ =	swait.ge [sflag:s7], $0x80  }
0x54: {  	[sflag:s7] =	ssyncset.done $0x0  }
0x55: {  	[sflag:s7] =	ssyncadd.s32 $0xFFFFFF80  }
0x56: {  	[tilespmem:s2], [sflag:$0x2] =	stream.linear.gather [hbm4b:s3+s2], $0x200, $0x38;
	[tilespmem:$0x300] =	vst v63  }
0x57: {  	_ =	swait.ge [sflag:s4], $0x200  }
0x58: {  	[sflag:s4] =	ssyncset.done $0x0  }
0x59: {  	[sflag:s4] =	ssyncadd.s32 $0xFFFFFE00  }
0x5a: {  	[tilespmem:$0x280] =	vst v0;
	v33 =	vld [tilespmem:$0x70]  }
0x5b: {  	[tilespmem:$0x290] =	vst v0;
	v34 =	vld [tilespmem:$0x30]  }
0x5c: {  	[tilespmem:$0x2A0] =	vst v0;
	v35 =	vld [tilespmem:$0x50]  }
0x5d: {  	[tilespmem:$0x2B0] =	vst v0;
	v36 =	vld [tilespmem:$0x20]  }
0x5e: {  	[tilespmem:$0x2C0] =	vst v0;
	v37 =	vld [tilespmem:$0x60]  }
0x5f: {  	[tilespmem:$0x2D0] =	vst v0;
	v38 =	vld [tilespmem:$0x0];
	v33 =	vadd.s32 v1, v33  }
0x60: {  	v34 =	vadd.s32 v2, v34;
	v39 =	vld [tilespmem:$0x40];
	[tilespmem:$0x270] =	vst v33  }
0x61: {  	v33 =	vld [tilespmem:$0x10];
	[tilespmem:$0x230] =	vst v34  }
0x62: {  	[tilespmem:$0x2E0] =	vst v0  }
0x63: {  	[tilespmem:$0x2F0] =	vst v0;
	v34 =	vadd.s32 v4, v37  }
0x64: {  	v36 =	vadd.s32 v7, v36;
	v37 =	vadd.s32 v3, v38;
	[tilespmem:$0x260] =	vst v34  }
0x65: {  	v35 =	vadd.s32 v8, v35;
	[tilespmem:$0x200] =	vst v37;
	v34 =	vadd.s32 v6, v39  }
0x66: {  	v33 =	vadd.s32 v5, v33;
	[tilespmem:$0x240] =	vst v34  }
0x67: {  	[tilespmem:$0x210] =	vst v33  }
0x68: {  	[tilespmem:$0x220] =	vst v36  }
0x69: {  	[tilespmem:$0x250] =	vst v35  }
0x6a: {  	[hbm4b:s5+s6] =	stream.indirect.scatter [tilespmem:s9], [sflag:$0x1], $0x1, s8, s6, $0xb8;
	[tilespmem:$0x300] =	vst v63  }
0x6b: {  	_ =	swait.ge [sflag:s7], $0x80  }
0x6c: {  	[sflag:s7] =	ssyncset.done $0x0  }
0x6d: {  	[sflag:s7] =	ssyncadd.s32 $0xFFFFFF80  }
0x6e: {  	v33 =	vld [tilespmem:$0xA0]  }
0x6f: {  	v34 =	vld [tilespmem:$0xF0]  }
0x70: {  	v35 =	vld [tilespmem:$0x90]  }
0x71: {  	v36 =	vld [tilespmem:$0xB0]  }
0x72: {  	v37 =	vld [tilespmem:$0xC0]  }
0x73: {  	v38 =	vld [tilespmem:$0x80]  }
0x74: {  	v39 =	vld [tilespmem:$0xD0];
	v34 =	vadd.s32 v10, v34  }
0x75: {  	v33 =	vadd.s32 v12, v33;
	v35 =	vadd.s32 v11, v35;
	v40 =	vld [tilespmem:$0xE0];
	[tilespmem:$0x270] =	vst v34  }
0x76: {  	[tilespmem:$0x210] =	vst v35;
	v34 =	vadd.s32 v13, v36  }
0x77: {  	[tilespmem:$0x220] =	vst v33;
	v33 =	vadd.s32 v14, v37  }
0x78: {  	v35 =	vadd.s32 v9, v38;
	[tilespmem:$0x230] =	vst v34  }
0x79: {  	[tilespmem:$0x200] =	vst v35;
	v34 =	vadd.s32 v17, v39  }
0x7a: {  	[tilespmem:$0x250] =	vst v34;
	v34 =	vadd.s32 v18, v40  }
0x7b: {  	[tilespmem:$0x260] =	vst v34  }
0x7c: {  	[tilespmem:$0x240] =	vst v33  }
0x7d: {  	[hbm4b:s5+s6] =	stream.indirect.scatter [tilespmem:s9], [sflag:$0x1], $0x1, s8, s6, $0xb8;
	[tilespmem:$0x300] =	vst v63  }
0x7e: {  	_ =	swait.ge [sflag:s7], $0x80  }
0x7f: {  	[sflag:s7] =	ssyncset.done $0x0  }
.Ltmp1:
0x80: {  	[sflag:s7] =	ssyncadd.s32 $0xFFFFFF80;
	(pc) =	sbr.rel @p0 .LBB2_1-.Ltmp1, $4  }
0x81: {  	v34 =	vld [tilespmem:$0x110]  }
0x82: {  	v35 =	vld [tilespmem:$0x100]  }
0x83: {  	v33 =	vld [tilespmem:$0x120]  }
0x84: {  	v36 =	vld [tilespmem:$0x130]  }
.LBB2_2:
0x85: {  	v0 =	vld [tilespmem:$0x140]  }
0x86: {  	v1 =	vld [tilespmem:$0x150];
	v2 =	vadd.s32 v22, v34  }
0x87: {  	v3 =	vld [tilespmem:$0x160];
	v4 =	vadd.s32 v19, v35;
	[tilespmem:$0x210] =	vst v2  }
0x88: {  	v48 =	vld [tilespmem:$0x170];
	[tilespmem:$0x200] =	vst v4;
	v53 =	vadd.s32 v15, v33  }
0x89: {  	v49 =	vadd.s32 v24, v36;
	[tilespmem:$0x220] =	vst v53  }
0x8a: {  	[tilespmem:$0x230] =	vst v49;
	v0 =	vadd.s32 v26, v0  }
0x8b: {  	v50 =	vadd.s32 v28, v1;
	[tilespmem:$0x240] =	vst v0  }
0x8c: {  	v51 =	vadd.s32 v27, v3;
	[tilespmem:$0x250] =	vst v50  }
0x8d: {  	v52 =	vadd.s32 v31, v48;
	[tilespmem:$0x260] =	vst v51  }
0x8e: {  	[tilespmem:$0x270] =	vst v52  }
0x8f: {  	[hbm4b:s5+s6] =	stream.indirect.scatter [tilespmem:s9], [sflag:$0x1], $0x1, s8, s6, $0xb8;
	[tilespmem:$0x300] =	vst v63  }
0x90: {  	_ =	swait.ge [sflag:s7], $0x80  }
0x91: {  	[sflag:s7] =	ssyncset.done $0x0  }
0x92: {  	[sflag:s7] =	ssyncadd.s32 $0xFFFFFF80  }
0x93: {  	v54 =	vld [tilespmem:$0x180]  }
0x94: {  	v55 =	vld [tilespmem:$0x190]  }
0x95: {  	v56 =	vld [tilespmem:$0x1E0]  }
0x96: {  	v57 =	vld [tilespmem:$0x1C0]  }
0x97: {  	v58 =	vld [tilespmem:$0x1D0]  }
0x98: {  	v5 =	vld [tilespmem:$0x1B0];
	v0 =	vadd.s32 v23, v54  }
0x99: {  	v60 =	vld [tilespmem:$0x1F0];
	v59 =	vadd.s32 v21, v55;
	[tilespmem:$0x200] =	vst v0  }
0x9a: {  	v61 =	vld [tilespmem:$0x1A0];
	v2 =	vadd.s32 v32, v56;
	[tilespmem:$0x210] =	vst v59  }
0x9b: {  	v3 =	vadd.s32 v25, v57;
	[tilespmem:$0x260] =	vst v2  }
0x9c: {  	v62 =	vadd.s32 v30, v58;
	[tilespmem:$0x240] =	vst v3  }
0x9d: {  	v63 =	vadd.s32 v20, v5;
	[tilespmem:$0x250] =	vst v62  }
0x9e: {  	v1 =	vadd.s32 v29, v60;
	[tilespmem:$0x230] =	vst v63  }
0x9f: {  	v0 =	vadd.s32 v16, v61;
	[tilespmem:$0x270] =	vst v1  }
0xa0: {  	[tilespmem:$0x220] =	vst v0  }
0xa1: {  	[hbm4b:s5+s6] =	stream.indirect.scatter [tilespmem:s9], [sflag:$0x1], $0x1, s8, s6, $0xb8;
	[tilespmem:$0x300] =	vst v63  }
0xa2: {  	_ =	swait.ge [sflag:s7], $0x80  }
0xa3: {  	[sflag:s7] =	ssyncset.done $0x0  }
0xa4: {  	[sflag:s7] =	ssyncadd.s32 $0xFFFFFF80  }
0xa5: {  	_ =	sfence.sel $0x180000  }
0xa6: {  	[bflag:$0x0] =	sbarrier.arrive $0xFFFF  }
0xa7: {  	p0 =	sne.s32 s0, $0x0;
	_ =	strace $0x9000004A  }
0xa8: {  	s0 =	sadd.s32 @!p0 $0x100000, s1;
	[bflag:$0x2] =	sbarrier.arrive $0xFFFF  }
0xa9: {  	[sflag:s0] =	ssyncadd.tile.s32 @!p0 $0x1;
	_ =	shalt  }
.Lfunc_end2:
_tile_overlayer_lowered:
.L_overlay_start_2:
0xaa: {  	(tag) =	ssettag $0x2  }
0xab: {  	s0 =	rddreg [dreg:$0x0];
	s2 =	stileid.u32  }
0xac: {  	s1 =	rddreg [dreg:$0x1];
	p0 =	sne.s32 s2, $0x0  }
0xad: {  	s3 =	rddreg [dreg:$0x2];
	[bflag:$0x3] =	sbarrier.arrive $0xFFFF;
	s2 =	simm.s32 @!p0 $0x1C02  }
0xae: {  	[timem:s3], [sflag:s2] =	dma.local @!p0 [hbm:s0], s1  }
0xaf: {  	s0 =	simm.s32 @!p0 $0x2  }
0xb0: {  	_ =	swait.ge @!p0 [sflag:s0], s1  }
0xb1: {  	s1 =	ssub.s32 @!p0 $0x0, s1;
	[sflag:s0] =	ssyncset.done @!p0 $0x0  }
0xb2: {  	[sflag:s0] =	ssyncadd.s32 @!p0 s1  }
0xb3: {  	[bflag:$0x3] =	sbarrier.arrive $0xFFFF  }
0xb4: {  	_ =	shalt  }

</sc_bundles>
